<compile_context>
chip_gen: v7x
topology: tpu7x:2x2x1
jax: 0.10.2.dev20260603
libtpu: 0.0.44.dev20260713+nightly
codegen_flags: <defaults>
</compile_context>

<pallas_src>
import functools

import jax
import jax.numpy as jnp
import numpy as np
from jax import lax
from jax.experimental import pallas as pl
from jax.experimental.pallas import tpu as pltpu
from jax.experimental.pallas import tpu_sc as plsc

_NC = 2
_NS = 16
_NW = _NC * _NS


def _sc_gather(table, idx, chunk, grp=5):
    rows, cols = table.shape
    total = idx.shape[0]
    n_chunks = total // chunk
    cpw = n_chunks // _NW
    nsup = cpw // grp
    idx2 = idx.reshape(_NW, cpw, chunk)
    mesh = plsc.VectorSubcoreMesh(core_axis_name="c", subcore_axis_name="s")

    @functools.partial(
        pl.kernel,
        mesh=mesh,
        out_type=jax.ShapeDtypeStruct((total, cols), jnp.float32),
        scratch_types=[
            pltpu.VMEM((cpw, chunk), jnp.int32),
            pltpu.VMEM((2, grp, chunk, cols), jnp.float32),
            pltpu.SemaphoreType.DMA,
            pltpu.SemaphoreType.DMA,
        ],
        compiler_params=pltpu.CompilerParams(use_tc_tiling_on_sc=False),
    )
    def gather_kernel(table_hbm, idx_hbm, out_hbm, idx_v, rows_v, sem_g, sem_s):
        wid = lax.axis_index("s") * _NC + lax.axis_index("c")
        base = wid * cpw
        pltpu.sync_copy(idx_hbm.at[wid], idx_v)

        def body(s, carry):
            p = lax.rem(s, 2)

            @pl.when(s >= 2)
            def _drain_prev_stores():
                for j in range(grp):
                    pltpu.make_async_copy(
                        rows_v.at[0, j], out_hbm.at[pl.ds(0, chunk)], sem_s
                    ).wait()

            descs = [
                pltpu.async_copy(
                    table_hbm.at[idx_v.at[s * grp + j]], rows_v.at[p, j], sem_g)
                for j in range(grp)
            ]
            for d in descs:
                d.wait()
            for j in range(grp):
                off = pl.multiple_of((base + s * grp + j) * chunk, 8)
                pltpu.async_copy(rows_v.at[p, j],
                                 out_hbm.at[pl.ds(off, chunk)], sem_s)
            return carry

        lax.fori_loop(0, nsup, body, 0)
        for j in range(2 * grp):
            pltpu.make_async_copy(
                rows_v.at[0, j % grp], out_hbm.at[pl.ds(0, chunk)], sem_s
            ).wait()

    return gather_kernel(table, idx2)


def _tc_body(g_ref, w_ref, a_ref, w2t_ref, b_ref, r20_ref, s20_ref, o_ref,
             *, K, C_IN, C_MID, C_ADD):
    t = g_ref.shape[0]
    ct = C_IN + C_ADD
    width = C_MID * ct
    r20 = r20_ref[...]
    s20 = s20_ref[...]
    pc = jnp.zeros((t, width), jnp.float32)
    for k in range(K):
        gk = g_ref[:, k * C_IN:(k + 1) * C_IN]
        ak = a_ref[:, k * C_ADD:(k + 1) * C_ADD]
        wk = w_ref[:, k * C_MID:(k + 1) * C_MID]
        gcat = jnp.concatenate([gk, ak], axis=1)
        g_rep = jnp.dot(gcat, r20, preferred_element_type=jnp.float32)
        w_til = jnp.dot(wk, s20, preferred_element_type=jnp.float32)
        pc = pc + g_rep * w_til
    o_ref[...] = (jnp.dot(pc, w2t_ref[...], preferred_element_type=jnp.float32)
                  + b_ref[...])


def _tc_fused(gathered2, wn2, add2, w2_t, bias2, *, K, C_IN, C_MID,
              C_ADD, OUT_F, tile, interpret=False):
    bn = gathered2.shape[0]
    grid = (bn // tile,)
    ct = C_IN + C_ADD
    width = C_MID * ct
    r20 = jnp.asarray(np.repeat(np.eye(ct, dtype=np.float32), C_MID, axis=1))
    s20 = jnp.asarray(np.tile(np.eye(C_MID, dtype=np.float32), (1, ct)))
    body = functools.partial(_tc_body, K=K, C_IN=C_IN, C_MID=C_MID, C_ADD=C_ADD)
    zero = lambda i: (0, 0)
    return pl.pallas_call(
        body,
        grid=grid,
        in_specs=[
            pl.BlockSpec((tile, K * C_IN), lambda i: (i, 0)),
            pl.BlockSpec((tile, K * C_MID), lambda i: (i, 0)),
            pl.BlockSpec((tile, K * C_ADD), lambda i: (i, 0)),
            pl.BlockSpec((width, OUT_F), zero),
            pl.BlockSpec((1, OUT_F), zero),
            pl.BlockSpec((ct, width), zero),
            pl.BlockSpec((C_MID, width), zero),
        ],
        out_specs=pl.BlockSpec((tile, OUT_F), lambda i: (i, 0)),
        out_shape=jax.ShapeDtypeStruct((bn, OUT_F), jnp.float32),
        interpret=interpret,
    )(gathered2, wn2, add2, w2_t, bias2, r20, s20)


def kernel(input_features, neighbor_inds, weightnet, additional_features,
           linear_weight, linear_bias):
    b, n, c_in = input_features.shape
    _, _, k = neighbor_inds.shape
    c_mid = weightnet.shape[-1]
    c_add = additional_features.shape[-1]
    out_f = linear_weight.shape[0]
    bn = b * n

    table = input_features.reshape(bn, c_in)
    offs = (jnp.arange(b, dtype=neighbor_inds.dtype) * n)[:, None, None]
    idx = (neighbor_inds + offs).reshape(bn * k)

    gathered = _sc_gather(table, idx, chunk=80)

    wn2 = weightnet.reshape(bn, k * c_mid)
    add2 = additional_features.reshape(bn, k * c_add)
    bias2 = linear_bias.reshape(1, out_f)
    w2_t = linear_weight.T

    out = _tc_fused(gathered.reshape(bn, k * c_in), wn2, add2, w2_t,
                    bias2, K=k, C_IN=c_in, C_MID=c_mid, C_ADD=c_add,
                    OUT_F=out_f, tile=2000)
    return out.reshape(b, n, out_f)

# --- scband reference (transcript-rebuilt; emitter-appended) ---
"""Pipeline reference for scband-pconv-linear-opt-8967891714687 (READ-ONLY COPY).

The authoritative reference and input builder live on the scoring server;
editing this copy changes nothing except your own understanding.
"""

import jax, jax.numpy as jnp
import numpy as np

B, N, K, C_IN, C_MID, C_ADD = 2, 50000, 16, 16, 16, 4
OUT_FEATURES = 64
IN_FEATURES = (C_IN + C_ADD) * C_MID


def setup_inputs(seed: int = 0) -> dict:
    key = jax.random.key(seed)
    ks = jax.random.split(key, 6)
    input_features = jax.random.normal(ks[0], (B, N, C_IN), dtype=jnp.float32)
    neighbor_inds = jax.random.randint(ks[1], (B, N, K), 0, N)
    weightnet = jax.random.normal(ks[2], (B, N, K, C_MID), dtype=jnp.float32)
    additional_features = jax.random.normal(ks[3], (B, N, K, C_ADD), dtype=jnp.float32)
    linear_weight = jax.random.normal(ks[4], (OUT_FEATURES, IN_FEATURES), dtype=jnp.float32) * 0.05
    linear_bias = jax.random.normal(ks[5], (OUT_FEATURES,), dtype=jnp.float32) * 0.05
    return {
        "input_features": input_features,
        "neighbor_inds": neighbor_inds,
        "weightnet": weightnet,
        "additional_features": additional_features,
        "linear_weight": linear_weight,
        "linear_bias": linear_bias,
    }


def reference(input_features, neighbor_inds, weightnet, additional_features, linear_weight, linear_bias):
    # Gather neighbor features: gathered[b, n, k, :] = input_features[b, neighbor_inds[b, n, k], :]
    gathered = jax.vmap(lambda feat, idx: jnp.take(feat, idx, axis=0))(input_features, neighbor_inds)
    # Concatenate additional (e.g. relative-position) features along channel dim
    feat = jnp.concatenate([gathered, additional_features], axis=-1)  # [B, N, K, C_total]
    # PConv: per-point matmul feat^T (C_total x K) @ weightnet (K x C_mid), flattened
    pconv_out = jnp.einsum('bnkc,bnkm->bncm', feat, weightnet)
    pconv_out = pconv_out.reshape(pconv_out.shape[0], pconv_out.shape[1], -1)  # [B, N, C_total*C_mid]
    # Fused linear layer
    out = pconv_out @ linear_weight.T + linear_bias
    return out

if __name__ == "__main__":
    import jax
    _d = setup_inputs()
    print(jax.jit(kernel)(*tuple(_d.values())))

</pallas_src>

<mosaic_0001>
#map = affine_map<(d0, d1) -> (0, 0)>
#map1 = affine_map<(d0, d1) -> (0, 0, 0)>
module attributes {stable_mosaic.version = 14 : i64} {
  func.func @gather_kernel(%arg0: i32, %arg1: i32, %arg2: memref<100000x16xf32, #tpu.memory_space<hbm>>, %arg3: memref<32x625x80xi32, #tpu.memory_space<hbm>>, %arg4: memref<1600000x16xf32, #tpu.memory_space<hbm>>, %arg5: memref<625x80xi32, #tpu.memory_space<vmem>>, %arg6: memref<2x5x80x16xf32, #tpu.memory_space<vmem>>, %arg7: memref<!tpu.dma_semaphore, #tpu.memory_space<semaphore_mem>>, %arg8: memref<!tpu.dma_semaphore, #tpu.memory_space<semaphore_mem>>) attributes {dimension_semantics = [#tpu.dimension_semantics<core_parallel>, #tpu.dimension_semantics<subcore_parallel>], iteration_bounds = array<i64: 2, 16>, scalar_prefetch = 0 : i64, scratch_operands = 4 : i64, tpu.core_type = #tpu.core_type<sc_vector_subcore>, window_params = [{transform_indices = #map}, {transform_indices = #map1}, {transform_indices = #map}]} {
    %mul3A = arith.constant 2 : i32
    %mul3A_0 = arith.muli %arg1, %mul3A : i32
    %add3A = arith.addi %mul3A_0, %arg0 : i32
    %mul3A_1 = arith.constant 625 : i32
    %mul3A_2 = arith.muli %add3A, %mul3A_1 : i32
    "tpu.region"() ({
      %run_scoped3A = tpu.sem_alloc : memref<!tpu.dma_semaphore, #tpu.memory_space<semaphore_mem>>
      %dma_start3A = arith.constant 0 : i32
      %dma_start3A_167 = arith.constant 0 : i32
      %dma_start3A_168 = tpu.memref_slice %arg3[%add3A, %dma_start3A, %dma_start3A_167] : memref<32x625x80xi32, #tpu.memory_space<hbm>> -> memref<1x625x80xi32, #tpu.memory_space<hbm>>
      %dma_start3A_169 = tpu.memref_squeeze %dma_start3A_168 : memref<1x625x80xi32, #tpu.memory_space<hbm>> -> memref<625x80xi32, #tpu.memory_space<hbm>>
      %dma_start3A_170 = arith.constant 0 : i32
      %dma_start3A_171 = arith.constant 0 : i32
      %dma_start3A_172 = tpu.memref_slice %arg3[%add3A, %dma_start3A_170, %dma_start3A_171] : memref<32x625x80xi32, #tpu.memory_space<hbm>> -> memref<1x625x80xi32, #tpu.memory_space<hbm>>
      %dma_start3A_173 = tpu.memref_squeeze %dma_start3A_172 : memref<1x625x80xi32, #tpu.memory_space<hbm>> -> memref<625x80xi32, #tpu.memory_space<hbm>>
      tpu.enqueue_dma source(%dma_start3A_173 : memref<625x80xi32, #tpu.memory_space<hbm>>) target(%arg5 : memref<625x80xi32, #tpu.memory_space<vmem>>) target_semaphore(%run_scoped3A : memref<!tpu.dma_semaphore, #tpu.memory_space<semaphore_mem>>)
      %dma_wait3A_174 = arith.constant 0 : i32
      %dma_wait3A_175 = arith.constant 0 : i32
      %dma_wait3A_176 = tpu.memref_slice %arg3[%add3A, %dma_wait3A_174, %dma_wait3A_175] : memref<32x625x80xi32, #tpu.memory_space<hbm>> -> memref<1x625x80xi32, #tpu.memory_space<hbm>>
      %dma_wait3A_177 = tpu.memref_squeeze %dma_wait3A_176 : memref<1x625x80xi32, #tpu.memory_space<hbm>> -> memref<625x80xi32, #tpu.memory_space<hbm>>
      %dma_wait3A_178 = arith.constant 0 : i32
      %dma_wait3A_179 = arith.constant 0 : i32
      %dma_wait3A_180 = tpu.memref_slice %arg3[%add3A, %dma_wait3A_178, %dma_wait3A_179] : memref<32x625x80xi32, #tpu.memory_space<hbm>> -> memref<1x625x80xi32, #tpu.memory_space<hbm>>
      %dma_wait3A_181 = tpu.memref_squeeze %dma_wait3A_180 : memref<1x625x80xi32, #tpu.memory_space<hbm>> -> memref<625x80xi32, #tpu.memory_space<hbm>>
      tpu.wait_dma2 semaphore(%run_scoped3A : memref<!tpu.dma_semaphore, #tpu.memory_space<semaphore_mem>>) src(%dma_wait3A_181 : memref<625x80xi32, #tpu.memory_space<hbm>>) dst(%arg5 : memref<625x80xi32, #tpu.memory_space<vmem>>)
      tpu.yield
    }) : () -> ()
    %scan3A = arith.constant 0 : i32
    %scan3A_3 = arith.constant 0 : i32
    %scan3A_4 = arith.constant 125 : i32
    %scan3A_5 = arith.addi %scan3A_3, %scan3A_4 : i32
    %scan3A_6 = arith.constant 1 : i32
    scf.for %scan3A_167 = %scan3A_3 to %scan3A_5 step %scan3A_6  : i32 {
      %rem3A = arith.constant 2 : i32
      %rem3A_168 = arith.remsi %scan3A_167, %rem3A : i32
      %ge3A = arith.constant 2 : i32
      %ge3A_169 = arith.cmpi sge, %scan3A_167, %ge3A : i32
      %convert_element_type3A = arith.extui %ge3A_169 : i1 to i32
      %cond3A = arith.constant 0 : i32
      %cond3A_170 = arith.cmpi ne, %convert_element_type3A, %cond3A : i32
      scf.if %cond3A_170 {
        %dma_wait3A_404 = arith.constant 0 : i32
        %dma_wait3A_405 = arith.constant 0 : i32
        %dma_wait3A_406 = arith.constant 0 : i32
        %dma_wait3A_407 = arith.constant 0 : i32
        %dma_wait3A_408 = tpu.memref_slice %arg6[%dma_wait3A_404, %dma_wait3A_405, %dma_wait3A_406, %dma_wait3A_407] : memref<2x5x80x16xf32, #tpu.memory_space<vmem>> -> memref<1x1x80x16xf32, #tpu.memory_space<vmem>>
        %dma_wait3A_409 = tpu.memref_squeeze %dma_wait3A_408 : memref<1x1x80x16xf32, #tpu.memory_space<vmem>> -> memref<80x16xf32, #tpu.memory_space<vmem>>
        %dma_wait3A_410 = arith.constant 0 : i32
        %dma_wait3A_411 = arith.constant 0 : i32
        %dma_wait3A_412 = tpu.memref_slice %arg4[%dma_wait3A_410, %dma_wait3A_411] : memref<1600000x16xf32, #tpu.memory_space<hbm>> -> memref<80x16xf32, #tpu.memory_space<hbm>>
        %dma_wait3A_413 = arith.constant 0 : i32
        %dma_wait3A_414 = arith.constant 0 : i32
        %dma_wait3A_415 = tpu.memref_slice %arg4[%dma_wait3A_413, %dma_wait3A_414] : memref<1600000x16xf32, #tpu.memory_space<hbm>> -> memref<80x16xf32, #tpu.memory_space<hbm>>
        %dma_wait3A_416 = arith.constant 0 : i32
        %dma_wait3A_417 = arith.constant 0 : i32
        %dma_wait3A_418 = tpu.memref_slice %arg6[%dma_wait3A_404, %dma_wait3A_405, %dma_wait3A_416, %dma_wait3A_417] : memref<2x5x80x16xf32, #tpu.memory_space<vmem>> -> memref<1x1x80x16xf32, #tpu.memory_space<vmem>>
        %dma_wait3A_419 = tpu.memref_squeeze %dma_wait3A_418 : memref<1x1x80x16xf32, #tpu.memory_space<vmem>> -> memref<80x16xf32, #tpu.memory_space<vmem>>
        tpu.wait_dma2 semaphore(%arg8 : memref<!tpu.dma_semaphore, #tpu.memory_space<semaphore_mem>>) src(%dma_wait3A_419 : memref<80x16xf32, #tpu.memory_space<vmem>>) dst(%dma_wait3A_415 : memref<80x16xf32, #tpu.memory_space<hbm>>)
        %dma_wait3A_420 = arith.constant 0 : i32
        %dma_wait3A_421 = arith.constant 1 : i32
        %dma_wait3A_422 = arith.constant 0 : i32
        %dma_wait3A_423 = arith.constant 0 : i32
        %dma_wait3A_424 = tpu.memref_slice %arg6[%dma_wait3A_420, %dma_wait3A_421, %dma_wait3A_422, %dma_wait3A_423] : memref<2x5x80x16xf32, #tpu.memory_space<vmem>> -> memref<1x1x80x16xf32, #tpu.memory_space<vmem>>
        %dma_wait3A_425 = tpu.memref_squeeze %dma_wait3A_424 : memref<1x1x80x16xf32, #tpu.memory_space<vmem>> -> memref<80x16xf32, #tpu.memory_space<vmem>>
        %dma_wait3A_426 = arith.constant 0 : i32
        %dma_wait3A_427 = arith.constant 0 : i32
        %dma_wait3A_428 = tpu.memref_slice %arg4[%dma_wait3A_426, %dma_wait3A_427] : memref<1600000x16xf32, #tpu.memory_space<hbm>> -> memref<80x16xf32, #tpu.memory_space<hbm>>
        %dma_wait3A_429 = arith.constant 0 : i32
        %dma_wait3A_430 = arith.constant 0 : i32
        %dma_wait3A_431 = tpu.memref_slice %arg4[%dma_wait3A_429, %dma_wait3A_430] : memref<1600000x16xf32, #tpu.memory_space<hbm>> -> memref<80x16xf32, #tpu.memory_space<hbm>>
        %dma_wait3A_432 = arith.constant 0 : i32
        %dma_wait3A_433 = arith.constant 0 : i32
        %dma_wait3A_434 = tpu.memref_slice %arg6[%dma_wait3A_420, %dma_wait3A_421, %dma_wait3A_432, %dma_wait3A_433] : memref<2x5x80x16xf32, #tpu.memory_space<vmem>> -> memref<1x1x80x16xf32, #tpu.memory_space<vmem>>
        %dma_wait3A_435 = tpu.memref_squeeze %dma_wait3A_434 : memref<1x1x80x16xf32, #tpu.memory_space<vmem>> -> memref<80x16xf32, #tpu.memory_space<vmem>>
        tpu.wait_dma2 semaphore(%arg8 : memref<!tpu.dma_semaphore, #tpu.memory_space<semaphore_mem>>) src(%dma_wait3A_435 : memref<80x16xf32, #tpu.memory_space<vmem>>) dst(%dma_wait3A_431 : memref<80x16xf32, #tpu.memory_space<hbm>>)
        %dma_wait3A_436 = arith.constant 0 : i32
        %dma_wait3A_437 = arith.constant 2 : i32
        %dma_wait3A_438 = arith.constant 0 : i32
        %dma_wait3A_439 = arith.constant 0 : i32
        %dma_wait3A_440 = tpu.memref_slice %arg6[%dma_wait3A_436, %dma_wait3A_437, %dma_wait3A_438, %dma_wait3A_439] : memref<2x5x80x16xf32, #tpu.memory_space<vmem>> -> memref<1x1x80x16xf32, #tpu.memory_space<vmem>>
        %dma_wait3A_441 = tpu.memref_squeeze %dma_wait3A_440 : memref<1x1x80x16xf32, #tpu.memory_space<vmem>> -> memref<80x16xf32, #tpu.memory_space<vmem>>
        %dma_wait3A_442 = arith.constant 0 : i32
        %dma_wait3A_443 = arith.constant 0 : i32
        %dma_wait3A_444 = tpu.memref_slice %arg4[%dma_wait3A_442, %dma_wait3A_443] : memref<1600000x16xf32, #tpu.memory_space<hbm>> -> memref<80x16xf32, #tpu.memory_space<hbm>>
        %dma_wait3A_445 = arith.constant 0 : i32
        %dma_wait3A_446 = arith.constant 0 : i32
        %dma_wait3A_447 = tpu.memref_slice %arg4[%dma_wait3A_445, %dma_wait3A_446] : memref<1600000x16xf32, #tpu.memory_space<hbm>> -> memref<80x16xf32, #tpu.memory_space<hbm>>
        %dma_wait3A_448 = arith.constant 0 : i32
        %dma_wait3A_449 = arith.constant 0 : i32
        %dma_wait3A_450 = tpu.memref_slice %arg6[%dma_wait3A_436, %dma_wait3A_437, %dma_wait3A_448, %dma_wait3A_449] : memref<2x5x80x16xf32, #tpu.memory_space<vmem>> -> memref<1x1x80x16xf32, #tpu.memory_space<vmem>>
        %dma_wait3A_451 = tpu.memref_squeeze %dma_wait3A_450 : memref<1x1x80x16xf32, #tpu.memory_space<vmem>> -> memref<80x16xf32, #tpu.memory_space<vmem>>
        tpu.wait_dma2 semaphore(%arg8 : memref<!tpu.dma_semaphore, #tpu.memory_space<semaphore_mem>>) src(%dma_wait3A_451 : memref<80x16xf32, #tpu.memory_space<vmem>>) dst(%dma_wait3A_447 : memref<80x16xf32, #tpu.memory_space<hbm>>)
        %dma_wait3A_452 = arith.constant 0 : i32
        %dma_wait3A_453 = arith.constant 3 : i32
        %dma_wait3A_454 = arith.constant 0 : i32
        %dma_wait3A_455 = arith.constant 0 : i32
        %dma_wait3A_456 = tpu.memref_slice %arg6[%dma_wait3A_452, %dma_wait3A_453, %dma_wait3A_454, %dma_wait3A_455] : memref<2x5x80x16xf32, #tpu.memory_space<vmem>> -> memref<1x1x80x16xf32, #tpu.memory_space<vmem>>
        %dma_wait3A_457 = tpu.memref_squeeze %dma_wait3A_456 : memref<1x1x80x16xf32, #tpu.memory_space<vmem>> -> memref<80x16xf32, #tpu.memory_space<vmem>>
        %dma_wait3A_458 = arith.constant 0 : i32
        %dma_wait3A_459 = arith.constant 0 : i32
        %dma_wait3A_460 = tpu.memref_slice %arg4[%dma_wait3A_458, %dma_wait3A_459] : memref<1600000x16xf32, #tpu.memory_space<hbm>> -> memref<80x16xf32, #tpu.memory_space<hbm>>
        %dma_wait3A_461 = arith.constant 0 : i32
        %dma_wait3A_462 = arith.constant 0 : i32
        %dma_wait3A_463 = tpu.memref_slice %arg4[%dma_wait3A_461, %dma_wait3A_462] : memref<1600000x16xf32, #tpu.memory_space<hbm>> -> memref<80x16xf32, #tpu.memory_space<hbm>>
        %dma_wait3A_464 = arith.constant 0 : i32
        %dma_wait3A_465 = arith.constant 0 : i32
        %dma_wait3A_466 = tpu.memref_slice %arg6[%dma_wait3A_452, %dma_wait3A_453, %dma_wait3A_464, %dma_wait3A_465] : memref<2x5x80x16xf32, #tpu.memory_space<vmem>> -> memref<1x1x80x16xf32, #tpu.memory_space<vmem>>
        %dma_wait3A_467 = tpu.memref_squeeze %dma_wait3A_466 : memref<1x1x80x16xf32, #tpu.memory_space<vmem>> -> memref<80x16xf32, #tpu.memory_space<vmem>>
        tpu.wait_dma2 semaphore(%arg8 : memref<!tpu.dma_semaphore, #tpu.memory_space<semaphore_mem>>) src(%dma_wait3A_467 : memref<80x16xf32, #tpu.memory_space<vmem>>) dst(%dma_wait3A_463 : memref<80x16xf32, #tpu.memory_space<hbm>>)
        %dma_wait3A_468 = arith.constant 0 : i32
        %dma_wait3A_469 = arith.constant 4 : i32
        %dma_wait3A_470 = arith.constant 0 : i32
        %dma_wait3A_471 = arith.constant 0 : i32
        %dma_wait3A_472 = tpu.memref_slice %arg6[%dma_wait3A_468, %dma_wait3A_469, %dma_wait3A_470, %dma_wait3A_471] : memref<2x5x80x16xf32, #tpu.memory_space<vmem>> -> memref<1x1x80x16xf32, #tpu.memory_space<vmem>>
        %dma_wait3A_473 = tpu.memref_squeeze %dma_wait3A_472 : memref<1x1x80x16xf32, #tpu.memory_space<vmem>> -> memref<80x16xf32, #tpu.memory_space<vmem>>
        %dma_wait3A_474 = arith.constant 0 : i32
        %dma_wait3A_475 = arith.constant 0 : i32
        %dma_wait3A_476 = tpu.memref_slice %arg4[%dma_wait3A_474, %dma_wait3A_475] : memref<1600000x16xf32, #tpu.memory_space<hbm>> -> memref<80x16xf32, #tpu.memory_space<hbm>>
        %dma_wait3A_477 = arith.constant 0 : i32
        %dma_wait3A_478 = arith.constant 0 : i32
        %dma_wait3A_479 = tpu.memref_slice %arg4[%dma_wait3A_477, %dma_wait3A_478] : memref<1600000x16xf32, #tpu.memory_space<hbm>> -> memref<80x16xf32, #tpu.memory_space<hbm>>
        %dma_wait3A_480 = arith.constant 0 : i32
        %dma_wait3A_481 = arith.constant 0 : i32
        %dma_wait3A_482 = tpu.memref_slice %arg6[%dma_wait3A_468, %dma_wait3A_469, %dma_wait3A_480, %dma_wait3A_481] : memref<2x5x80x16xf32, #tpu.memory_space<vmem>> -> memref<1x1x80x16xf32, #tpu.memory_space<vmem>>
        %dma_wait3A_483 = tpu.memref_squeeze %dma_wait3A_482 : memref<1x1x80x16xf32, #tpu.memory_space<vmem>> -> memref<80x16xf32, #tpu.memory_space<vmem>>
        tpu.wait_dma2 semaphore(%arg8 : memref<!tpu.dma_semaphore, #tpu.memory_space<semaphore_mem>>) src(%dma_wait3A_483 : memref<80x16xf32, #tpu.memory_space<vmem>>) dst(%dma_wait3A_479 : memref<80x16xf32, #tpu.memory_space<hbm>>)
      } else {
      }
      %mul3A_171 = arith.constant 5 : i32
      %mul3A_172 = arith.muli %scan3A_167, %mul3A_171 : i32
      %add3A_173 = arith.constant 0 : i32
      %add3A_174 = arith.addi %mul3A_172, %add3A_173 : i32
      %dma_start3A = arith.constant 0 : i32
      %dma_start3A_175 = arith.constant 0 : i32
      %dma_start3A_176 = arith.constant 0 : i32
      %dma_start3A_177 = tpu.memref_slice %arg6[%rem3A_168, %dma_start3A, %dma_start3A_175, %dma_start3A_176] : memref<2x5x80x16xf32, #tpu.memory_space<vmem>> -> memref<1x1x80x16xf32, #tpu.memory_space<vmem>>
      %dma_start3A_178 = tpu.memref_squeeze %dma_start3A_177 : memref<1x1x80x16xf32, #tpu.memory_space<vmem>> -> memref<80x16xf32, #tpu.memory_space<vmem>>
      %dma_start3A_179 = arith.constant 0 : i32
      %dma_start3A_180 = tpu.memref_slice %arg5[%add3A_174, %dma_start3A_179] : memref<625x80xi32, #tpu.memory_space<vmem>> -> memref<1x80xi32, #tpu.memory_space<vmem>>
      %dma_start3A_181 = tpu.memref_squeeze %dma_start3A_180 : memref<1x80xi32, #tpu.memory_space<vmem>> -> memref<80xi32, #tpu.memory_space<vmem>>
      %dma_start3A_182 = arith.constant 0 : i32
      %dma_start3A_183 = arith.constant 0 : i32
      %dma_start3A_184 = tpu.memref_slice %arg2[%dma_start3A_182, %dma_start3A_183] : memref<100000x16xf32, #tpu.memory_space<hbm>> -> memref<100000x16xf32, #tpu.memory_space<hbm>>
      tpu.enqueue_indirect_dma source(%dma_start3A_184 : memref<100000x16xf32, #tpu.memory_space<hbm>>) target(%dma_start3A_178 : memref<80x16xf32, #tpu.memory_space<vmem>>) offsets(%dma_start3A_181 : memref<80xi32, #tpu.memory_space<vmem>>) semaphore(%arg7 : memref<!tpu.dma_semaphore, #tpu.memory_space<semaphore_mem>>)
      %mul3A_185 = arith.constant 5 : i32
      %mul3A_186 = arith.muli %scan3A_167, %mul3A_185 : i32
      %add3A_187 = arith.constant 1 : i32
      %add3A_188 = arith.addi %mul3A_186, %add3A_187 : i32
      %dma_start3A_189 = arith.constant 1 : i32
      %dma_start3A_190 = arith.constant 0 : i32
      %dma_start3A_191 = arith.constant 0 : i32
      %dma_start3A_192 = tpu.memref_slice %arg6[%rem3A_168, %dma_start3A_189, %dma_start3A_190, %dma_start3A_191] : memref<2x5x80x16xf32, #tpu.memory_space<vmem>> -> memref<1x1x80x16xf32, #tpu.memory_space<vmem>>
      %dma_start3A_193 = tpu.memref_squeeze %dma_start3A_192 : memref<1x1x80x16xf32, #tpu.memory_space<vmem>> -> memref<80x16xf32, #tpu.memory_space<vmem>>
      %dma_start3A_194 = arith.constant 0 : i32
      %dma_start3A_195 = tpu.memref_slice %arg5[%add3A_188, %dma_start3A_194] : memref<625x80xi32, #tpu.memory_space<vmem>> -> memref<1x80xi32, #tpu.memory_space<vmem>>
      %dma_start3A_196 = tpu.memref_squeeze %dma_start3A_195 : memref<1x80xi32, #tpu.memory_space<vmem>> -> memref<80xi32, #tpu.memory_space<vmem>>
      %dma_start3A_197 = arith.constant 0 : i32
      %dma_start3A_198 = arith.constant 0 : i32
      %dma_start3A_199 = tpu.memref_slice %arg2[%dma_start3A_197, %dma_start3A_198] : memref<100000x16xf32, #tpu.memory_space<hbm>> -> memref<100000x16xf32, #tpu.memory_space<hbm>>
      tpu.enqueue_indirect_dma source(%dma_start3A_199 : memref<100000x16xf32, #tpu.memory_space<hbm>>) target(%dma_start3A_193 : memref<80x16xf32, #tpu.memory_space<vmem>>) offsets(%dma_start3A_196 : memref<80xi32, #tpu.memory_space<vmem>>) semaphore(%arg7 : memref<!tpu.dma_semaphore, #tpu.memory_space<semaphore_mem>>)
      %mul3A_200 = arith.constant 5 : i32
      %mul3A_201 = arith.muli %scan3A_167, %mul3A_200 : i32
      %add3A_202 = arith.constant 2 : i32
      %add3A_203 = arith.addi %mul3A_201, %add3A_202 : i32
      %dma_start3A_204 = arith.constant 2 : i32
      %dma_start3A_205 = arith.constant 0 : i32
      %dma_start3A_206 = arith.constant 0 : i32
      %dma_start3A_207 = tpu.memref_slice %arg6[%rem3A_168, %dma_start3A_204, %dma_start3A_205, %dma_start3A_206] : memref<2x5x80x16xf32, #tpu.memory_space<vmem>> -> memref<1x1x80x16xf32, #tpu.memory_space<vmem>>
      %dma_start3A_208 = tpu.memref_squeeze %dma_start3A_207 : memref<1x1x80x16xf32, #tpu.memory_space<vmem>> -> memref<80x16xf32, #tpu.memory_space<vmem>>
      %dma_start3A_209 = arith.constant 0 : i32
      %dma_start3A_210 = tpu.memref_slice %arg5[%add3A_203, %dma_start3A_209] : memref<625x80xi32, #tpu.memory_space<vmem>> -> memref<1x80xi32, #tpu.memory_space<vmem>>
      %dma_start3A_211 = tpu.memref_squeeze %dma_start3A_210 : memref<1x80xi32, #tpu.memory_space<vmem>> -> memref<80xi32, #tpu.memory_space<vmem>>
      %dma_start3A_212 = arith.constant 0 : i32
      %dma_start3A_213 = arith.constant 0 : i32
      %dma_start3A_214 = tpu.memref_slice %arg2[%dma_start3A_212, %dma_start3A_213] : memref<100000x16xf32, #tpu.memory_space<hbm>> -> memref<100000x16xf32, #tpu.memory_space<hbm>>
      tpu.enqueue_indirect_dma source(%dma_start3A_214 : memref<100000x16xf32, #tpu.memory_space<hbm>>) target(%dma_start3A_208 : memref<80x16xf32, #tpu.memory_space<vmem>>) offsets(%dma_start3A_211 : memref<80xi32, #tpu.memory_space<vmem>>) semaphore(%arg7 : memref<!tpu.dma_semaphore, #tpu.memory_space<semaphore_mem>>)
      %mul3A_215 = arith.constant 5 : i32
      %mul3A_216 = arith.muli %scan3A_167, %mul3A_215 : i32
      %add3A_217 = arith.constant 3 : i32
      %add3A_218 = arith.addi %mul3A_216, %add3A_217 : i32
      %dma_start3A_219 = arith.constant 3 : i32
      %dma_start3A_220 = arith.constant 0 : i32
      %dma_start3A_221 = arith.constant 0 : i32
      %dma_start3A_222 = tpu.memref_slice %arg6[%rem3A_168, %dma_start3A_219, %dma_start3A_220, %dma_start3A_221] : memref<2x5x80x16xf32, #tpu.memory_space<vmem>> -> memref<1x1x80x16xf32, #tpu.memory_space<vmem>>
      %dma_start3A_223 = tpu.memref_squeeze %dma_start3A_222 : memref<1x1x80x16xf32, #tpu.memory_space<vmem>> -> memref<80x16xf32, #tpu.memory_space<vmem>>
      %dma_start3A_224 = arith.constant 0 : i32
      %dma_start3A_225 = tpu.memref_slice %arg5[%add3A_218, %dma_start3A_224] : memref<625x80xi32, #tpu.memory_space<vmem>> -> memref<1x80xi32, #tpu.memory_space<vmem>>
      %dma_start3A_226 = tpu.memref_squeeze %dma_start3A_225 : memref<1x80xi32, #tpu.memory_space<vmem>> -> memref<80xi32, #tpu.memory_space<vmem>>
      %dma_start3A_227 = arith.constant 0 : i32
      %dma_start3A_228 = arith.constant 0 : i32
      %dma_start3A_229 = tpu.memref_slice %arg2[%dma_start3A_227, %dma_start3A_228] : memref<100000x16xf32, #tpu.memory_space<hbm>> -> memref<100000x16xf32, #tpu.memory_space<hbm>>
      tpu.enqueue_indirect_dma source(%dma_start3A_229 : memref<100000x16xf32, #tpu.memory_space<hbm>>) target(%dma_start3A_223 : memref<80x16xf32, #tpu.memory_space<vmem>>) offsets(%dma_start3A_226 : memref<80xi32, #tpu.memory_space<vmem>>) semaphore(%arg7 : memref<!tpu.dma_semaphore, #tpu.memory_space<semaphore_mem>>)
      %mul3A_230 = arith.constant 5 : i32
      %mul3A_231 = arith.muli %scan3A_167, %mul3A_230 : i32
      %add3A_232 = arith.constant 4 : i32
      %add3A_233 = arith.addi %mul3A_231, %add3A_232 : i32
      %dma_start3A_234 = arith.constant 4 : i32
      %dma_start3A_235 = arith.constant 0 : i32
      %dma_start3A_236 = arith.constant 0 : i32
      %dma_start3A_237 = tpu.memref_slice %arg6[%rem3A_168, %dma_start3A_234, %dma_start3A_235, %dma_start3A_236] : memref<2x5x80x16xf32, #tpu.memory_space<vmem>> -> memref<1x1x80x16xf32, #tpu.memory_space<vmem>>
      %dma_start3A_238 = tpu.memref_squeeze %dma_start3A_237 : memref<1x1x80x16xf32, #tpu.memory_space<vmem>> -> memref<80x16xf32, #tpu.memory_space<vmem>>
      %dma_start3A_239 = arith.constant 0 : i32
      %dma_start3A_240 = tpu.memref_slice %arg5[%add3A_233, %dma_start3A_239] : memref<625x80xi32, #tpu.memory_space<vmem>> -> memref<1x80xi32, #tpu.memory_space<vmem>>
      %dma_start3A_241 = tpu.memref_squeeze %dma_start3A_240 : memref<1x80xi32, #tpu.memory_space<vmem>> -> memref<80xi32, #tpu.memory_space<vmem>>
      %dma_start3A_242 = arith.constant 0 : i32
      %dma_start3A_243 = arith.constant 0 : i32
      %dma_start3A_244 = tpu.memref_slice %arg2[%dma_start3A_242, %dma_start3A_243] : memref<100000x16xf32, #tpu.memory_space<hbm>> -> memref<100000x16xf32, #tpu.memory_space<hbm>>
      tpu.enqueue_indirect_dma source(%dma_start3A_244 : memref<100000x16xf32, #tpu.memory_space<hbm>>) target(%dma_start3A_238 : memref<80x16xf32, #tpu.memory_space<vmem>>) offsets(%dma_start3A_241 : memref<80xi32, #tpu.memory_space<vmem>>) semaphore(%arg7 : memref<!tpu.dma_semaphore, #tpu.memory_space<semaphore_mem>>)
      %dma_wait3A_245 = arith.constant 0 : i32
      %dma_wait3A_246 = arith.constant 0 : i32
      %dma_wait3A_247 = arith.constant 0 : i32
      %dma_wait3A_248 = tpu.memref_slice %arg6[%rem3A_168, %dma_wait3A_245, %dma_wait3A_246, %dma_wait3A_247] : memref<2x5x80x16xf32, #tpu.memory_space<vmem>> -> memref<1x1x80x16xf32, #tpu.memory_space<vmem>>
      %dma_wait3A_249 = tpu.memref_squeeze %dma_wait3A_248 : memref<1x1x80x16xf32, #tpu.memory_space<vmem>> -> memref<80x16xf32, #tpu.memory_space<vmem>>
      %dma_wait3A_250 = arith.constant 0 : i32
      %dma_wait3A_251 = tpu.memref_slice %arg5[%add3A_174, %dma_wait3A_250] : memref<625x80xi32, #tpu.memory_space<vmem>> -> memref<1x80xi32, #tpu.memory_space<vmem>>
      %dma_wait3A_252 = tpu.memref_squeeze %dma_wait3A_251 : memref<1x80xi32, #tpu.memory_space<vmem>> -> memref<80xi32, #tpu.memory_space<vmem>>
      %dma_wait3A_253 = arith.constant 0 : i32
      %dma_wait3A_254 = arith.constant 0 : i32
      %dma_wait3A_255 = tpu.memref_slice %arg2[%dma_wait3A_253, %dma_wait3A_254] : memref<100000x16xf32, #tpu.memory_space<hbm>> -> memref<100000x16xf32, #tpu.memory_space<hbm>>
      tpu.wait_indirect_dma semaphore(%arg7 : memref<!tpu.dma_semaphore, #tpu.memory_space<semaphore_mem>>) src(%dma_wait3A_255 : memref<100000x16xf32, #tpu.memory_space<hbm>>) dst(%dma_wait3A_249 : memref<80x16xf32, #tpu.memory_space<vmem>>)
      %dma_wait3A_256 = arith.constant 1 : i32
      %dma_wait3A_257 = arith.constant 0 : i32
      %dma_wait3A_258 = arith.constant 0 : i32
      %dma_wait3A_259 = tpu.memref_slice %arg6[%rem3A_168, %dma_wait3A_256, %dma_wait3A_257, %dma_wait3A_258] : memref<2x5x80x16xf32, #tpu.memory_space<vmem>> -> memref<1x1x80x16xf32, #tpu.memory_space<vmem>>
      %dma_wait3A_260 = tpu.memref_squeeze %dma_wait3A_259 : memref<1x1x80x16xf32, #tpu.memory_space<vmem>> -> memref<80x16xf32, #tpu.memory_space<vmem>>
      %dma_wait3A_261 = arith.constant 0 : i32
      %dma_wait3A_262 = tpu.memref_slice %arg5[%add3A_188, %dma_wait3A_261] : memref<625x80xi32, #tpu.memory_space<vmem>> -> memref<1x80xi32, #tpu.memory_space<vmem>>
      %dma_wait3A_263 = tpu.memref_squeeze %dma_wait3A_262 : memref<1x80xi32, #tpu.memory_space<vmem>> -> memref<80xi32, #tpu.memory_space<vmem>>
      %dma_wait3A_264 = arith.constant 0 : i32
      %dma_wait3A_265 = arith.constant 0 : i32
      %dma_wait3A_266 = tpu.memref_slice %arg2[%dma_wait3A_264, %dma_wait3A_265] : memref<100000x16xf32, #tpu.memory_space<hbm>> -> memref<100000x16xf32, #tpu.memory_space<hbm>>
      tpu.wait_indirect_dma semaphore(%arg7 : memref<!tpu.dma_semaphore, #tpu.memory_space<semaphore_mem>>) src(%dma_wait3A_266 : memref<100000x16xf32, #tpu.memory_space<hbm>>) dst(%dma_wait3A_260 : memref<80x16xf32, #tpu.memory_space<vmem>>)
      %dma_wait3A_267 = arith.constant 2 : i32
      %dma_wait3A_268 = arith.constant 0 : i32
      %dma_wait3A_269 = arith.constant 0 : i32
      %dma_wait3A_270 = tpu.memref_slice %arg6[%rem3A_168, %dma_wait3A_267, %dma_wait3A_268, %dma_wait3A_269] : memref<2x5x80x16xf32, #tpu.memory_space<vmem>> -> memref<1x1x80x16xf32, #tpu.memory_space<vmem>>
      %dma_wait3A_271 = tpu.memref_squeeze %dma_wait3A_270 : memref<1x1x80x16xf32, #tpu.memory_space<vmem>> -> memref<80x16xf32, #tpu.memory_space<vmem>>
      %dma_wait3A_272 = arith.constant 0 : i32
      %dma_wait3A_273 = tpu.memref_slice %arg5[%add3A_203, %dma_wait3A_272] : memref<625x80xi32, #tpu.memory_space<vmem>> -> memref<1x80xi32, #tpu.memory_space<vmem>>
      %dma_wait3A_274 = tpu.memref_squeeze %dma_wait3A_273 : memref<1x80xi32, #tpu.memory_space<vmem>> -> memref<80xi32, #tpu.memory_space<vmem>>
      %dma_wait3A_275 = arith.constant 0 : i32
      %dma_wait3A_276 = arith.constant 0 : i32
      %dma_wait3A_277 = tpu.memref_slice %arg2[%dma_wait3A_275, %dma_wait3A_276] : memref<100000x16xf32, #tpu.memory_space<hbm>> -> memref<100000x16xf32, #tpu.memory_space<hbm>>
      tpu.wait_indirect_dma semaphore(%arg7 : memref<!tpu.dma_semaphore, #tpu.memory_space<semaphore_mem>>) src(%dma_wait3A_277 : memref<100000x16xf32, #tpu.memory_space<hbm>>) dst(%dma_wait3A_271 : memref<80x16xf32, #tpu.memory_space<vmem>>)
      %dma_wait3A_278 = arith.constant 3 : i32
      %dma_wait3A_279 = arith.constant 0 : i32
      %dma_wait3A_280 = arith.constant 0 : i32
      %dma_wait3A_281 = tpu.memref_slice %arg6[%rem3A_168, %dma_wait3A_278, %dma_wait3A_279, %dma_wait3A_280] : memref<2x5x80x16xf32, #tpu.memory_space<vmem>> -> memref<1x1x80x16xf32, #tpu.memory_space<vmem>>
      %dma_wait3A_282 = tpu.memref_squeeze %dma_wait3A_281 : memref<1x1x80x16xf32, #tpu.memory_space<vmem>> -> memref<80x16xf32, #tpu.memory_space<vmem>>
      %dma_wait3A_283 = arith.constant 0 : i32
      %dma_wait3A_284 = tpu.memref_slice %arg5[%add3A_218, %dma_wait3A_283] : memref<625x80xi32, #tpu.memory_space<vmem>> -> memref<1x80xi32, #tpu.memory_space<vmem>>
      %dma_wait3A_285 = tpu.memref_squeeze %dma_wait3A_284 : memref<1x80xi32, #tpu.memory_space<vmem>> -> memref<80xi32, #tpu.memory_space<vmem>>
      %dma_wait3A_286 = arith.constant 0 : i32
      %dma_wait3A_287 = arith.constant 0 : i32
      %dma_wait3A_288 = tpu.memref_slice %arg2[%dma_wait3A_286, %dma_wait3A_287] : memref<100000x16xf32, #tpu.memory_space<hbm>> -> memref<100000x16xf32, #tpu.memory_space<hbm>>
      tpu.wait_indirect_dma semaphore(%arg7 : memref<!tpu.dma_semaphore, #tpu.memory_space<semaphore_mem>>) src(%dma_wait3A_288 : memref<100000x16xf32, #tpu.memory_space<hbm>>) dst(%dma_wait3A_282 : memref<80x16xf32, #tpu.memory_space<vmem>>)
      %dma_wait3A_289 = arith.constant 4 : i32
      %dma_wait3A_290 = arith.constant 0 : i32
      %dma_wait3A_291 = arith.constant 0 : i32
      %dma_wait3A_292 = tpu.memref_slice %arg6[%rem3A_168, %dma_wait3A_289, %dma_wait3A_290, %dma_wait3A_291] : memref<2x5x80x16xf32, #tpu.memory_space<vmem>> -> memref<1x1x80x16xf32, #tpu.memory_space<vmem>>
      %dma_wait3A_293 = tpu.memref_squeeze %dma_wait3A_292 : memref<1x1x80x16xf32, #tpu.memory_space<vmem>> -> memref<80x16xf32, #tpu.memory_space<vmem>>
      %dma_wait3A_294 = arith.constant 0 : i32
      %dma_wait3A_295 = tpu.memref_slice %arg5[%add3A_233, %dma_wait3A_294] : memref<625x80xi32, #tpu.memory_space<vmem>> -> memref<1x80xi32, #tpu.memory_space<vmem>>
      %dma_wait3A_296 = tpu.memref_squeeze %dma_wait3A_295 : memref<1x80xi32, #tpu.memory_space<vmem>> -> memref<80xi32, #tpu.memory_space<vmem>>
      %dma_wait3A_297 = arith.constant 0 : i32
      %dma_wait3A_298 = arith.constant 0 : i32
      %dma_wait3A_299 = tpu.memref_slice %arg2[%dma_wait3A_297, %dma_wait3A_298] : memref<100000x16xf32, #tpu.memory_space<hbm>> -> memref<100000x16xf32, #tpu.memory_space<hbm>>
      tpu.wait_indirect_dma semaphore(%arg7 : memref<!tpu.dma_semaphore, #tpu.memory_space<semaphore_mem>>) src(%dma_wait3A_299 : memref<100000x16xf32, #tpu.memory_space<hbm>>) dst(%dma_wait3A_293 : memref<80x16xf32, #tpu.memory_space<vmem>>)
      %mul3A_300 = arith.constant 5 : i32
      %mul3A_301 = arith.muli %scan3A_167, %mul3A_300 : i32
      %add3A_302 = arith.addi %mul3A_2, %mul3A_301 : i32
      %add3A_303 = arith.constant 0 : i32
      %add3A_304 = arith.addi %add3A_302, %add3A_303 : i32
      %mul3A_305 = arith.constant 80 : i32
      %mul3A_306 = arith.muli %add3A_304, %mul3A_305 : i32
      %multiple_of3A = tpu.assume_multiple %mul3A_306, 8 : i32
      %dma_start3A_307 = arith.constant 0 : i32
      %dma_start3A_308 = arith.constant 0 : i32
      %dma_start3A_309 = arith.constant 0 : i32
      %dma_start3A_310 = tpu.memref_slice %arg6[%rem3A_168, %dma_start3A_307, %dma_start3A_308, %dma_start3A_309] : memref<2x5x80x16xf32, #tpu.memory_space<vmem>> -> memref<1x1x80x16xf32, #tpu.memory_space<vmem>>
      %dma_start3A_311 = tpu.memref_squeeze %dma_start3A_310 : memref<1x1x80x16xf32, #tpu.memory_space<vmem>> -> memref<80x16xf32, #tpu.memory_space<vmem>>
      %dma_start3A_312 = arith.constant 0 : i32
      %dma_start3A_313 = tpu.memref_slice %arg4[%multiple_of3A, %dma_start3A_312] : memref<1600000x16xf32, #tpu.memory_space<hbm>> -> memref<80x16xf32, #tpu.memory_space<hbm>>
      %dma_start3A_314 = arith.constant 0 : i32
      %dma_start3A_315 = tpu.memref_slice %arg4[%multiple_of3A, %dma_start3A_314] : memref<1600000x16xf32, #tpu.memory_space<hbm>> -> memref<80x16xf32, #tpu.memory_space<hbm>>
      %dma_start3A_316 = arith.constant 0 : i32
      %dma_start3A_317 = arith.constant 0 : i32
      %dma_start3A_318 = tpu.memref_slice %arg6[%rem3A_168, %dma_start3A_307, %dma_start3A_316, %dma_start3A_317] : memref<2x5x80x16xf32, #tpu.memory_space<vmem>> -> memref<1x1x80x16xf32, #tpu.memory_space<vmem>>
      %dma_start3A_319 = tpu.memref_squeeze %dma_start3A_318 : memref<1x1x80x16xf32, #tpu.memory_space<vmem>> -> memref<80x16xf32, #tpu.memory_space<vmem>>
      tpu.enqueue_dma source(%dma_start3A_319 : memref<80x16xf32, #tpu.memory_space<vmem>>) target(%dma_start3A_315 : memref<80x16xf32, #tpu.memory_space<hbm>>) target_semaphore(%arg8 : memref<!tpu.dma_semaphore, #tpu.memory_space<semaphore_mem>>)
      %mul3A_320 = arith.constant 5 : i32
      %mul3A_321 = arith.muli %scan3A_167, %mul3A_320 : i32
      %add3A_322 = arith.addi %mul3A_2, %mul3A_321 : i32
      %add3A_323 = arith.constant 1 : i32
      %add3A_324 = arith.addi %add3A_322, %add3A_323 : i32
      %mul3A_325 = arith.constant 80 : i32
      %mul3A_326 = arith.muli %add3A_324, %mul3A_325 : i32
      %multiple_of3A_327 = tpu.assume_multiple %mul3A_326, 8 : i32
      %dma_start3A_328 = arith.constant 1 : i32
      %dma_start3A_329 = arith.constant 0 : i32
      %dma_start3A_330 = arith.constant 0 : i32
      %dma_start3A_331 = tpu.memref_slice %arg6[%rem3A_168, %dma_start3A_328, %dma_start3A_329, %dma_start3A_330] : memref<2x5x80x16xf32, #tpu.memory_space<vmem>> -> memref<1x1x80x16xf32, #tpu.memory_space<vmem>>
      %dma_start3A_332 = tpu.memref_squeeze %dma_start3A_331 : memref<1x1x80x16xf32, #tpu.memory_space<vmem>> -> memref<80x16xf32, #tpu.memory_space<vmem>>
      %dma_start3A_333 = arith.constant 0 : i32
      %dma_start3A_334 = tpu.memref_slice %arg4[%multiple_of3A_327, %dma_start3A_333] : memref<1600000x16xf32, #tpu.memory_space<hbm>> -> memref<80x16xf32, #tpu.memory_space<hbm>>
      %dma_start3A_335 = arith.constant 0 : i32
      %dma_start3A_336 = tpu.memref_slice %arg4[%multiple_of3A_327, %dma_start3A_335] : memref<1600000x16xf32, #tpu.memory_space<hbm>> -> memref<80x16xf32, #tpu.memory_space<hbm>>
      %dma_start3A_337 = arith.constant 0 : i32
      %dma_start3A_338 = arith.constant 0 : i32
      %dma_start3A_339 = tpu.memref_slice %arg6[%rem3A_168, %dma_start3A_328, %dma_start3A_337, %dma_start3A_338] : memref<2x5x80x16xf32, #tpu.memory_space<vmem>> -> memref<1x1x80x16xf32, #tpu.memory_space<vmem>>
      %dma_start3A_340 = tpu.memref_squeeze %dma_start3A_339 : memref<1x1x80x16xf32, #tpu.memory_space<vmem>> -> memref<80x16xf32, #tpu.memory_space<vmem>>
      tpu.enqueue_dma source(%dma_start3A_340 : memref<80x16xf32, #tpu.memory_space<vmem>>) target(%dma_start3A_336 : memref<80x16xf32, #tpu.memory_space<hbm>>) target_semaphore(%arg8 : memref<!tpu.dma_semaphore, #tpu.memory_space<semaphore_mem>>)
      %mul3A_341 = arith.constant 5 : i32
      %mul3A_342 = arith.muli %scan3A_167, %mul3A_341 : i32
      %add3A_343 = arith.addi %mul3A_2, %mul3A_342 : i32
      %add3A_344 = arith.constant 2 : i32
      %add3A_345 = arith.addi %add3A_343, %add3A_344 : i32
      %mul3A_346 = arith.constant 80 : i32
      %mul3A_347 = arith.muli %add3A_345, %mul3A_346 : i32
      %multiple_of3A_348 = tpu.assume_multiple %mul3A_347, 8 : i32
      %dma_start3A_349 = arith.constant 2 : i32
      %dma_start3A_350 = arith.constant 0 : i32
      %dma_start3A_351 = arith.constant 0 : i32
      %dma_start3A_352 = tpu.memref_slice %arg6[%rem3A_168, %dma_start3A_349, %dma_start3A_350, %dma_start3A_351] : memref<2x5x80x16xf32, #tpu.memory_space<vmem>> -> memref<1x1x80x16xf32, #tpu.memory_space<vmem>>
      %dma_start3A_353 = tpu.memref_squeeze %dma_start3A_352 : memref<1x1x80x16xf32, #tpu.memory_space<vmem>> -> memref<80x16xf32, #tpu.memory_space<vmem>>
      %dma_start3A_354 = arith.constant 0 : i32
      %dma_start3A_355 = tpu.memref_slice %arg4[%multiple_of3A_348, %dma_start3A_354] : memref<1600000x16xf32, #tpu.memory_space<hbm>> -> memref<80x16xf32, #tpu.memory_space<hbm>>
      %dma_start3A_356 = arith.constant 0 : i32
      %dma_start3A_357 = tpu.memref_slice %arg4[%multiple_of3A_348, %dma_start3A_356] : memref<1600000x16xf32, #tpu.memory_space<hbm>> -> memref<80x16xf32, #tpu.memory_space<hbm>>
      %dma_start3A_358 = arith.constant 0 : i32
      %dma_start3A_359 = arith.constant 0 : i32
      %dma_start3A_360 = tpu.memref_slice %arg6[%rem3A_168, %dma_start3A_349, %dma_start3A_358, %dma_start3A_359] : memref<2x5x80x16xf32, #tpu.memory_space<vmem>> -> memref<1x1x80x16xf32, #tpu.memory_space<vmem>>
      %dma_start3A_361 = tpu.memref_squeeze %dma_start3A_360 : memref<1x1x80x16xf32, #tpu.memory_space<vmem>> -> memref<80x16xf32, #tpu.memory_space<vmem>>
      tpu.enqueue_dma source(%dma_start3A_361 : memref<80x16xf32, #tpu.memory_space<vmem>>) target(%dma_start3A_357 : memref<80x16xf32, #tpu.memory_space<hbm>>) target_semaphore(%arg8 : memref<!tpu.dma_semaphore, #tpu.memory_space<semaphore_mem>>)
      %mul3A_362 = arith.constant 5 : i32
      %mul3A_363 = arith.muli %scan3A_167, %mul3A_362 : i32
      %add3A_364 = arith.addi %mul3A_2, %mul3A_363 : i32
      %add3A_365 = arith.constant 3 : i32
      %add3A_366 = arith.addi %add3A_364, %add3A_365 : i32
      %mul3A_367 = arith.constant 80 : i32
      %mul3A_368 = arith.muli %add3A_366, %mul3A_367 : i32
      %multiple_of3A_369 = tpu.assume_multiple %mul3A_368, 8 : i32
      %dma_start3A_370 = arith.constant 3 : i32
      %dma_start3A_371 = arith.constant 0 : i32
      %dma_start3A_372 = arith.constant 0 : i32
      %dma_start3A_373 = tpu.memref_slice %arg6[%rem3A_168, %dma_start3A_370, %dma_start3A_371, %dma_start3A_372] : memref<2x5x80x16xf32, #tpu.memory_space<vmem>> -> memref<1x1x80x16xf32, #tpu.memory_space<vmem>>
      %dma_start3A_374 = tpu.memref_squeeze %dma_start3A_373 : memref<1x1x80x16xf32, #tpu.memory_space<vmem>> -> memref<80x16xf32, #tpu.memory_space<vmem>>
      %dma_start3A_375 = arith.constant 0 : i32
      %dma_start3A_376 = tpu.memref_slice %arg4[%multiple_of3A_369, %dma_start3A_375] : memref<1600000x16xf32, #tpu.memory_space<hbm>> -> memref<80x16xf32, #tpu.memory_space<hbm>>
      %dma_start3A_377 = arith.constant 0 : i32
      %dma_start3A_378 = tpu.memref_slice %arg4[%multiple_of3A_369, %dma_start3A_377] : memref<1600000x16xf32, #tpu.memory_space<hbm>> -> memref<80x16xf32, #tpu.memory_space<hbm>>
      %dma_start3A_379 = arith.constant 0 : i32
      %dma_start3A_380 = arith.constant 0 : i32
      %dma_start3A_381 = tpu.memref_slice %arg6[%rem3A_168, %dma_start3A_370, %dma_start3A_379, %dma_start3A_380] : memref<2x5x80x16xf32, #tpu.memory_space<vmem>> -> memref<1x1x80x16xf32, #tpu.memory_space<vmem>>
      %dma_start3A_382 = tpu.memref_squeeze %dma_start3A_381 : memref<1x1x80x16xf32, #tpu.memory_space<vmem>> -> memref<80x16xf32, #tpu.memory_space<vmem>>
      tpu.enqueue_dma source(%dma_start3A_382 : memref<80x16xf32, #tpu.memory_space<vmem>>) target(%dma_start3A_378 : memref<80x16xf32, #tpu.memory_space<hbm>>) target_semaphore(%arg8 : memref<!tpu.dma_semaphore, #tpu.memory_space<semaphore_mem>>)
      %mul3A_383 = arith.constant 5 : i32
      %mul3A_384 = arith.muli %scan3A_167, %mul3A_383 : i32
      %add3A_385 = arith.addi %mul3A_2, %mul3A_384 : i32
      %add3A_386 = arith.constant 4 : i32
      %add3A_387 = arith.addi %add3A_385, %add3A_386 : i32
      %mul3A_388 = arith.constant 80 : i32
      %mul3A_389 = arith.muli %add3A_387, %mul3A_388 : i32
      %multiple_of3A_390 = tpu.assume_multiple %mul3A_389, 8 : i32
      %dma_start3A_391 = arith.constant 4 : i32
      %dma_start3A_392 = arith.constant 0 : i32
      %dma_start3A_393 = arith.constant 0 : i32
      %dma_start3A_394 = tpu.memref_slice %arg6[%rem3A_168, %dma_start3A_391, %dma_start3A_392, %dma_start3A_393] : memref<2x5x80x16xf32, #tpu.memory_space<vmem>> -> memref<1x1x80x16xf32, #tpu.memory_space<vmem>>
      %dma_start3A_395 = tpu.memref_squeeze %dma_start3A_394 : memref<1x1x80x16xf32, #tpu.memory_space<vmem>> -> memref<80x16xf32, #tpu.memory_space<vmem>>
      %dma_start3A_396 = arith.constant 0 : i32
      %dma_start3A_397 = tpu.memref_slice %arg4[%multiple_of3A_390, %dma_start3A_396] : memref<1600000x16xf32, #tpu.memory_space<hbm>> -> memref<80x16xf32, #tpu.memory_space<hbm>>
      %dma_start3A_398 = arith.constant 0 : i32
      %dma_start3A_399 = tpu.memref_slice %arg4[%multiple_of3A_390, %dma_start3A_398] : memref<1600000x16xf32, #tpu.memory_space<hbm>> -> memref<80x16xf32, #tpu.memory_space<hbm>>
      %dma_start3A_400 = arith.constant 0 : i32
      %dma_start3A_401 = arith.constant 0 : i32
      %dma_start3A_402 = tpu.memref_slice %arg6[%rem3A_168, %dma_start3A_391, %dma_start3A_400, %dma_start3A_401] : memref<2x5x80x16xf32, #tpu.memory_space<vmem>> -> memref<1x1x80x16xf32, #tpu.memory_space<vmem>>
      %dma_start3A_403 = tpu.memref_squeeze %dma_start3A_402 : memref<1x1x80x16xf32, #tpu.memory_space<vmem>> -> memref<80x16xf32, #tpu.memory_space<vmem>>
      tpu.enqueue_dma source(%dma_start3A_403 : memref<80x16xf32, #tpu.memory_space<vmem>>) target(%dma_start3A_399 : memref<80x16xf32, #tpu.memory_space<hbm>>) target_semaphore(%arg8 : memref<!tpu.dma_semaphore, #tpu.memory_space<semaphore_mem>>)
    }
    %scan3A_7 = arith.constant 125 : i32
    %dma_wait3A = arith.constant 0 : i32
    %dma_wait3A_8 = arith.constant 0 : i32
    %dma_wait3A_9 = arith.constant 0 : i32
    %dma_wait3A_10 = arith.constant 0 : i32
    %dma_wait3A_11 = tpu.memref_slice %arg6[%dma_wait3A, %dma_wait3A_8, %dma_wait3A_9, %dma_wait3A_10] : memref<2x5x80x16xf32, #tpu.memory_space<vmem>> -> memref<1x1x80x16xf32, #tpu.memory_space<vmem>>
    %dma_wait3A_12 = tpu.memref_squeeze %dma_wait3A_11 : memref<1x1x80x16xf32, #tpu.memory_space<vmem>> -> memref<80x16xf32, #tpu.memory_space<vmem>>
    %dma_wait3A_13 = arith.constant 0 : i32
    %dma_wait3A_14 = arith.constant 0 : i32
    %dma_wait3A_15 = tpu.memref_slice %arg4[%dma_wait3A_13, %dma_wait3A_14] : memref<1600000x16xf32, #tpu.memory_space<hbm>> -> memref<80x16xf32, #tpu.memory_space<hbm>>
    %dma_wait3A_16 = arith.constant 0 : i32
    %dma_wait3A_17 = arith.constant 0 : i32
    %dma_wait3A_18 = tpu.memref_slice %arg4[%dma_wait3A_16, %dma_wait3A_17] : memref<1600000x16xf32, #tpu.memory_space<hbm>> -> memref<80x16xf32, #tpu.memory_space<hbm>>
    %dma_wait3A_19 = arith.constant 0 : i32
    %dma_wait3A_20 = arith.constant 0 : i32
    %dma_wait3A_21 = tpu.memref_slice %arg6[%dma_wait3A, %dma_wait3A_8, %dma_wait3A_19, %dma_wait3A_20] : memref<2x5x80x16xf32, #tpu.memory_space<vmem>> -> memref<1x1x80x16xf32, #tpu.memory_space<vmem>>
    %dma_wait3A_22 = tpu.memref_squeeze %dma_wait3A_21 : memref<1x1x80x16xf32, #tpu.memory_space<vmem>> -> memref<80x16xf32, #tpu.memory_space<vmem>>
    tpu.wait_dma2 semaphore(%arg8 : memref<!tpu.dma_semaphore, #tpu.memory_space<semaphore_mem>>) src(%dma_wait3A_22 : memref<80x16xf32, #tpu.memory_space<vmem>>) dst(%dma_wait3A_18 : memref<80x16xf32, #tpu.memory_space<hbm>>)
    %dma_wait3A_23 = arith.constant 0 : i32
    %dma_wait3A_24 = arith.constant 1 : i32
    %dma_wait3A_25 = arith.constant 0 : i32
    %dma_wait3A_26 = arith.constant 0 : i32
    %dma_wait3A_27 = tpu.memref_slice %arg6[%dma_wait3A_23, %dma_wait3A_24, %dma_wait3A_25, %dma_wait3A_26] : memref<2x5x80x16xf32, #tpu.memory_space<vmem>> -> memref<1x1x80x16xf32, #tpu.memory_space<vmem>>
    %dma_wait3A_28 = tpu.memref_squeeze %dma_wait3A_27 : memref<1x1x80x16xf32, #tpu.memory_space<vmem>> -> memref<80x16xf32, #tpu.memory_space<vmem>>
    %dma_wait3A_29 = arith.constant 0 : i32
    %dma_wait3A_30 = arith.constant 0 : i32
    %dma_wait3A_31 = tpu.memref_slice %arg4[%dma_wait3A_29, %dma_wait3A_30] : memref<1600000x16xf32, #tpu.memory_space<hbm>> -> memref<80x16xf32, #tpu.memory_space<hbm>>
    %dma_wait3A_32 = arith.constant 0 : i32
    %dma_wait3A_33 = arith.constant 0 : i32
    %dma_wait3A_34 = tpu.memref_slice %arg4[%dma_wait3A_32, %dma_wait3A_33] : memref<1600000x16xf32, #tpu.memory_space<hbm>> -> memref<80x16xf32, #tpu.memory_space<hbm>>
    %dma_wait3A_35 = arith.constant 0 : i32
    %dma_wait3A_36 = arith.constant 0 : i32
    %dma_wait3A_37 = tpu.memref_slice %arg6[%dma_wait3A_23, %dma_wait3A_24, %dma_wait3A_35, %dma_wait3A_36] : memref<2x5x80x16xf32, #tpu.memory_space<vmem>> -> memref<1x1x80x16xf32, #tpu.memory_space<vmem>>
    %dma_wait3A_38 = tpu.memref_squeeze %dma_wait3A_37 : memref<1x1x80x16xf32, #tpu.memory_space<vmem>> -> memref<80x16xf32, #tpu.memory_space<vmem>>
    tpu.wait_dma2 semaphore(%arg8 : memref<!tpu.dma_semaphore, #tpu.memory_space<semaphore_mem>>) src(%dma_wait3A_38 : memref<80x16xf32, #tpu.memory_space<vmem>>) dst(%dma_wait3A_34 : memref<80x16xf32, #tpu.memory_space<hbm>>)
    %dma_wait3A_39 = arith.constant 0 : i32
    %dma_wait3A_40 = arith.constant 2 : i32
    %dma_wait3A_41 = arith.constant 0 : i32
    %dma_wait3A_42 = arith.constant 0 : i32
    %dma_wait3A_43 = tpu.memref_slice %arg6[%dma_wait3A_39, %dma_wait3A_40, %dma_wait3A_41, %dma_wait3A_42] : memref<2x5x80x16xf32, #tpu.memory_space<vmem>> -> memref<1x1x80x16xf32, #tpu.memory_space<vmem>>
    %dma_wait3A_44 = tpu.memref_squeeze %dma_wait3A_43 : memref<1x1x80x16xf32, #tpu.memory_space<vmem>> -> memref<80x16xf32, #tpu.memory_space<vmem>>
    %dma_wait3A_45 = arith.constant 0 : i32
    %dma_wait3A_46 = arith.constant 0 : i32
    %dma_wait3A_47 = tpu.memref_slice %arg4[%dma_wait3A_45, %dma_wait3A_46] : memref<1600000x16xf32, #tpu.memory_space<hbm>> -> memref<80x16xf32, #tpu.memory_space<hbm>>
    %dma_wait3A_48 = arith.constant 0 : i32
    %dma_wait3A_49 = arith.constant 0 : i32
    %dma_wait3A_50 = tpu.memref_slice %arg4[%dma_wait3A_48, %dma_wait3A_49] : memref<1600000x16xf32, #tpu.memory_space<hbm>> -> memref<80x16xf32, #tpu.memory_space<hbm>>
    %dma_wait3A_51 = arith.constant 0 : i32
    %dma_wait3A_52 = arith.constant 0 : i32
    %dma_wait3A_53 = tpu.memref_slice %arg6[%dma_wait3A_39, %dma_wait3A_40, %dma_wait3A_51, %dma_wait3A_52] : memref<2x5x80x16xf32, #tpu.memory_space<vmem>> -> memref<1x1x80x16xf32, #tpu.memory_space<vmem>>
    %dma_wait3A_54 = tpu.memref_squeeze %dma_wait3A_53 : memref<1x1x80x16xf32, #tpu.memory_space<vmem>> -> memref<80x16xf32, #tpu.memory_space<vmem>>
    tpu.wait_dma2 semaphore(%arg8 : memref<!tpu.dma_semaphore, #tpu.memory_space<semaphore_mem>>) src(%dma_wait3A_54 : memref<80x16xf32, #tpu.memory_space<vmem>>) dst(%dma_wait3A_50 : memref<80x16xf32, #tpu.memory_space<hbm>>)
    %dma_wait3A_55 = arith.constant 0 : i32
    %dma_wait3A_56 = arith.constant 3 : i32
    %dma_wait3A_57 = arith.constant 0 : i32
    %dma_wait3A_58 = arith.constant 0 : i32
    %dma_wait3A_59 = tpu.memref_slice %arg6[%dma_wait3A_55, %dma_wait3A_56, %dma_wait3A_57, %dma_wait3A_58] : memref<2x5x80x16xf32, #tpu.memory_space<vmem>> -> memref<1x1x80x16xf32, #tpu.memory_space<vmem>>
    %dma_wait3A_60 = tpu.memref_squeeze %dma_wait3A_59 : memref<1x1x80x16xf32, #tpu.memory_space<vmem>> -> memref<80x16xf32, #tpu.memory_space<vmem>>
    %dma_wait3A_61 = arith.constant 0 : i32
    %dma_wait3A_62 = arith.constant 0 : i32
    %dma_wait3A_63 = tpu.memref_slice %arg4[%dma_wait3A_61, %dma_wait3A_62] : memref<1600000x16xf32, #tpu.memory_space<hbm>> -> memref<80x16xf32, #tpu.memory_space<hbm>>
    %dma_wait3A_64 = arith.constant 0 : i32
    %dma_wait3A_65 = arith.constant 0 : i32
    %dma_wait3A_66 = tpu.memref_slice %arg4[%dma_wait3A_64, %dma_wait3A_65] : memref<1600000x16xf32, #tpu.memory_space<hbm>> -> memref<80x16xf32, #tpu.memory_space<hbm>>
    %dma_wait3A_67 = arith.constant 0 : i32
    %dma_wait3A_68 = arith.constant 0 : i32
    %dma_wait3A_69 = tpu.memref_slice %arg6[%dma_wait3A_55, %dma_wait3A_56, %dma_wait3A_67, %dma_wait3A_68] : memref<2x5x80x16xf32, #tpu.memory_space<vmem>> -> memref<1x1x80x16xf32, #tpu.memory_space<vmem>>
    %dma_wait3A_70 = tpu.memref_squeeze %dma_wait3A_69 : memref<1x1x80x16xf32, #tpu.memory_space<vmem>> -> memref<80x16xf32, #tpu.memory_space<vmem>>
    tpu.wait_dma2 semaphore(%arg8 : memref<!tpu.dma_semaphore, #tpu.memory_space<semaphore_mem>>) src(%dma_wait3A_70 : memref<80x16xf32, #tpu.memory_space<vmem>>) dst(%dma_wait3A_66 : memref<80x16xf32, #tpu.memory_space<hbm>>)
    %dma_wait3A_71 = arith.constant 0 : i32
    %dma_wait3A_72 = arith.constant 4 : i32
    %dma_wait3A_73 = arith.constant 0 : i32
    %dma_wait3A_74 = arith.constant 0 : i32
    %dma_wait3A_75 = tpu.memref_slice %arg6[%dma_wait3A_71, %dma_wait3A_72, %dma_wait3A_73, %dma_wait3A_74] : memref<2x5x80x16xf32, #tpu.memory_space<vmem>> -> memref<1x1x80x16xf32, #tpu.memory_space<vmem>>
    %dma_wait3A_76 = tpu.memref_squeeze %dma_wait3A_75 : memref<1x1x80x16xf32, #tpu.memory_space<vmem>> -> memref<80x16xf32, #tpu.memory_space<vmem>>
    %dma_wait3A_77 = arith.constant 0 : i32
    %dma_wait3A_78 = arith.constant 0 : i32
    %dma_wait3A_79 = tpu.memref_slice %arg4[%dma_wait3A_77, %dma_wait3A_78] : memref<1600000x16xf32, #tpu.memory_space<hbm>> -> memref<80x16xf32, #tpu.memory_space<hbm>>
    %dma_wait3A_80 = arith.constant 0 : i32
    %dma_wait3A_81 = arith.constant 0 : i32
    %dma_wait3A_82 = tpu.memref_slice %arg4[%dma_wait3A_80, %dma_wait3A_81] : memref<1600000x16xf32, #tpu.memory_space<hbm>> -> memref<80x16xf32, #tpu.memory_space<hbm>>
    %dma_wait3A_83 = arith.constant 0 : i32
    %dma_wait3A_84 = arith.constant 0 : i32
    %dma_wait3A_85 = tpu.memref_slice %arg6[%dma_wait3A_71, %dma_wait3A_72, %dma_wait3A_83, %dma_wait3A_84] : memref<2x5x80x16xf32, #tpu.memory_space<vmem>> -> memref<1x1x80x16xf32, #tpu.memory_space<vmem>>
    %dma_wait3A_86 = tpu.memref_squeeze %dma_wait3A_85 : memref<1x1x80x16xf32, #tpu.memory_space<vmem>> -> memref<80x16xf32, #tpu.memory_space<vmem>>
    tpu.wait_dma2 semaphore(%arg8 : memref<!tpu.dma_semaphore, #tpu.memory_space<semaphore_mem>>) src(%dma_wait3A_86 : memref<80x16xf32, #tpu.memory_space<vmem>>) dst(%dma_wait3A_82 : memref<80x16xf32, #tpu.memory_space<hbm>>)
    %dma_wait3A_87 = arith.constant 0 : i32
    %dma_wait3A_88 = arith.constant 0 : i32
    %dma_wait3A_89 = arith.constant 0 : i32
    %dma_wait3A_90 = arith.constant 0 : i32
    %dma_wait3A_91 = tpu.memref_slice %arg6[%dma_wait3A_87, %dma_wait3A_88, %dma_wait3A_89, %dma_wait3A_90] : memref<2x5x80x16xf32, #tpu.memory_space<vmem>> -> memref<1x1x80x16xf32, #tpu.memory_space<vmem>>
    %dma_wait3A_92 = tpu.memref_squeeze %dma_wait3A_91 : memref<1x1x80x16xf32, #tpu.memory_space<vmem>> -> memref<80x16xf32, #tpu.memory_space<vmem>>
    %dma_wait3A_93 = arith.constant 0 : i32
    %dma_wait3A_94 = arith.constant 0 : i32
    %dma_wait3A_95 = tpu.memref_slice %arg4[%dma_wait3A_93, %dma_wait3A_94] : memref<1600000x16xf32, #tpu.memory_space<hbm>> -> memref<80x16xf32, #tpu.memory_space<hbm>>
    %dma_wait3A_96 = arith.constant 0 : i32
    %dma_wait3A_97 = arith.constant 0 : i32
    %dma_wait3A_98 = tpu.memref_slice %arg4[%dma_wait3A_96, %dma_wait3A_97] : memref<1600000x16xf32, #tpu.memory_space<hbm>> -> memref<80x16xf32, #tpu.memory_space<hbm>>
    %dma_wait3A_99 = arith.constant 0 : i32
    %dma_wait3A_100 = arith.constant 0 : i32
    %dma_wait3A_101 = tpu.memref_slice %arg6[%dma_wait3A_87, %dma_wait3A_88, %dma_wait3A_99, %dma_wait3A_100] : memref<2x5x80x16xf32, #tpu.memory_space<vmem>> -> memref<1x1x80x16xf32, #tpu.memory_space<vmem>>
    %dma_wait3A_102 = tpu.memref_squeeze %dma_wait3A_101 : memref<1x1x80x16xf32, #tpu.memory_space<vmem>> -> memref<80x16xf32, #tpu.memory_space<vmem>>
    tpu.wait_dma2 semaphore(%arg8 : memref<!tpu.dma_semaphore, #tpu.memory_space<semaphore_mem>>) src(%dma_wait3A_102 : memref<80x16xf32, #tpu.memory_space<vmem>>) dst(%dma_wait3A_98 : memref<80x16xf32, #tpu.memory_space<hbm>>)
    %dma_wait3A_103 = arith.constant 0 : i32
    %dma_wait3A_104 = arith.constant 1 : i32
    %dma_wait3A_105 = arith.constant 0 : i32
    %dma_wait3A_106 = arith.constant 0 : i32
    %dma_wait3A_107 = tpu.memref_slice %arg6[%dma_wait3A_103, %dma_wait3A_104, %dma_wait3A_105, %dma_wait3A_106] : memref<2x5x80x16xf32, #tpu.memory_space<vmem>> -> memref<1x1x80x16xf32, #tpu.memory_space<vmem>>
    %dma_wait3A_108 = tpu.memref_squeeze %dma_wait3A_107 : memref<1x1x80x16xf32, #tpu.memory_space<vmem>> -> memref<80x16xf32, #tpu.memory_space<vmem>>
    %dma_wait3A_109 = arith.constant 0 : i32
    %dma_wait3A_110 = arith.constant 0 : i32
    %dma_wait3A_111 = tpu.memref_slice %arg4[%dma_wait3A_109, %dma_wait3A_110] : memref<1600000x16xf32, #tpu.memory_space<hbm>> -> memref<80x16xf32, #tpu.memory_space<hbm>>
    %dma_wait3A_112 = arith.constant 0 : i32
    %dma_wait3A_113 = arith.constant 0 : i32
    %dma_wait3A_114 = tpu.memref_slice %arg4[%dma_wait3A_112, %dma_wait3A_113] : memref<1600000x16xf32, #tpu.memory_space<hbm>> -> memref<80x16xf32, #tpu.memory_space<hbm>>
    %dma_wait3A_115 = arith.constant 0 : i32
    %dma_wait3A_116 = arith.constant 0 : i32
    %dma_wait3A_117 = tpu.memref_slice %arg6[%dma_wait3A_103, %dma_wait3A_104, %dma_wait3A_115, %dma_wait3A_116] : memref<2x5x80x16xf32, #tpu.memory_space<vmem>> -> memref<1x1x80x16xf32, #tpu.memory_space<vmem>>
    %dma_wait3A_118 = tpu.memref_squeeze %dma_wait3A_117 : memref<1x1x80x16xf32, #tpu.memory_space<vmem>> -> memref<80x16xf32, #tpu.memory_space<vmem>>
    tpu.wait_dma2 semaphore(%arg8 : memref<!tpu.dma_semaphore, #tpu.memory_space<semaphore_mem>>) src(%dma_wait3A_118 : memref<80x16xf32, #tpu.memory_space<vmem>>) dst(%dma_wait3A_114 : memref<80x16xf32, #tpu.memory_space<hbm>>)
    %dma_wait3A_119 = arith.constant 0 : i32
    %dma_wait3A_120 = arith.constant 2 : i32
    %dma_wait3A_121 = arith.constant 0 : i32
    %dma_wait3A_122 = arith.constant 0 : i32
    %dma_wait3A_123 = tpu.memref_slice %arg6[%dma_wait3A_119, %dma_wait3A_120, %dma_wait3A_121, %dma_wait3A_122] : memref<2x5x80x16xf32, #tpu.memory_space<vmem>> -> memref<1x1x80x16xf32, #tpu.memory_space<vmem>>
    %dma_wait3A_124 = tpu.memref_squeeze %dma_wait3A_123 : memref<1x1x80x16xf32, #tpu.memory_space<vmem>> -> memref<80x16xf32, #tpu.memory_space<vmem>>
    %dma_wait3A_125 = arith.constant 0 : i32
    %dma_wait3A_126 = arith.constant 0 : i32
    %dma_wait3A_127 = tpu.memref_slice %arg4[%dma_wait3A_125, %dma_wait3A_126] : memref<1600000x16xf32, #tpu.memory_space<hbm>> -> memref<80x16xf32, #tpu.memory_space<hbm>>
    %dma_wait3A_128 = arith.constant 0 : i32
    %dma_wait3A_129 = arith.constant 0 : i32
    %dma_wait3A_130 = tpu.memref_slice %arg4[%dma_wait3A_128, %dma_wait3A_129] : memref<1600000x16xf32, #tpu.memory_space<hbm>> -> memref<80x16xf32, #tpu.memory_space<hbm>>
    %dma_wait3A_131 = arith.constant 0 : i32
    %dma_wait3A_132 = arith.constant 0 : i32
    %dma_wait3A_133 = tpu.memref_slice %arg6[%dma_wait3A_119, %dma_wait3A_120, %dma_wait3A_131, %dma_wait3A_132] : memref<2x5x80x16xf32, #tpu.memory_space<vmem>> -> memref<1x1x80x16xf32, #tpu.memory_space<vmem>>
    %dma_wait3A_134 = tpu.memref_squeeze %dma_wait3A_133 : memref<1x1x80x16xf32, #tpu.memory_space<vmem>> -> memref<80x16xf32, #tpu.memory_space<vmem>>
    tpu.wait_dma2 semaphore(%arg8 : memref<!tpu.dma_semaphore, #tpu.memory_space<semaphore_mem>>) src(%dma_wait3A_134 : memref<80x16xf32, #tpu.memory_space<vmem>>) dst(%dma_wait3A_130 : memref<80x16xf32, #tpu.memory_space<hbm>>)
    %dma_wait3A_135 = arith.constant 0 : i32
    %dma_wait3A_136 = arith.constant 3 : i32
    %dma_wait3A_137 = arith.constant 0 : i32
    %dma_wait3A_138 = arith.constant 0 : i32
    %dma_wait3A_139 = tpu.memref_slice %arg6[%dma_wait3A_135, %dma_wait3A_136, %dma_wait3A_137, %dma_wait3A_138] : memref<2x5x80x16xf32, #tpu.memory_space<vmem>> -> memref<1x1x80x16xf32, #tpu.memory_space<vmem>>
    %dma_wait3A_140 = tpu.memref_squeeze %dma_wait3A_139 : memref<1x1x80x16xf32, #tpu.memory_space<vmem>> -> memref<80x16xf32, #tpu.memory_space<vmem>>
    %dma_wait3A_141 = arith.constant 0 : i32
    %dma_wait3A_142 = arith.constant 0 : i32
    %dma_wait3A_143 = tpu.memref_slice %arg4[%dma_wait3A_141, %dma_wait3A_142] : memref<1600000x16xf32, #tpu.memory_space<hbm>> -> memref<80x16xf32, #tpu.memory_space<hbm>>
    %dma_wait3A_144 = arith.constant 0 : i32
    %dma_wait3A_145 = arith.constant 0 : i32
    %dma_wait3A_146 = tpu.memref_slice %arg4[%dma_wait3A_144, %dma_wait3A_145] : memref<1600000x16xf32, #tpu.memory_space<hbm>> -> memref<80x16xf32, #tpu.memory_space<hbm>>
    %dma_wait3A_147 = arith.constant 0 : i32
    %dma_wait3A_148 = arith.constant 0 : i32
    %dma_wait3A_149 = tpu.memref_slice %arg6[%dma_wait3A_135, %dma_wait3A_136, %dma_wait3A_147, %dma_wait3A_148] : memref<2x5x80x16xf32, #tpu.memory_space<vmem>> -> memref<1x1x80x16xf32, #tpu.memory_space<vmem>>
    %dma_wait3A_150 = tpu.memref_squeeze %dma_wait3A_149 : memref<1x1x80x16xf32, #tpu.memory_space<vmem>> -> memref<80x16xf32, #tpu.memory_space<vmem>>
    tpu.wait_dma2 semaphore(%arg8 : memref<!tpu.dma_semaphore, #tpu.memory_space<semaphore_mem>>) src(%dma_wait3A_150 : memref<80x16xf32, #tpu.memory_space<vmem>>) dst(%dma_wait3A_146 : memref<80x16xf32, #tpu.memory_space<hbm>>)
    %dma_wait3A_151 = arith.constant 0 : i32
    %dma_wait3A_152 = arith.constant 4 : i32
    %dma_wait3A_153 = arith.constant 0 : i32
    %dma_wait3A_154 = arith.constant 0 : i32
    %dma_wait3A_155 = tpu.memref_slice %arg6[%dma_wait3A_151, %dma_wait3A_152, %dma_wait3A_153, %dma_wait3A_154] : memref<2x5x80x16xf32, #tpu.memory_space<vmem>> -> memref<1x1x80x16xf32, #tpu.memory_space<vmem>>
    %dma_wait3A_156 = tpu.memref_squeeze %dma_wait3A_155 : memref<1x1x80x16xf32, #tpu.memory_space<vmem>> -> memref<80x16xf32, #tpu.memory_space<vmem>>
    %dma_wait3A_157 = arith.constant 0 : i32
    %dma_wait3A_158 = arith.constant 0 : i32
    %dma_wait3A_159 = tpu.memref_slice %arg4[%dma_wait3A_157, %dma_wait3A_158] : memref<1600000x16xf32, #tpu.memory_space<hbm>> -> memref<80x16xf32, #tpu.memory_space<hbm>>
    %dma_wait3A_160 = arith.constant 0 : i32
    %dma_wait3A_161 = arith.constant 0 : i32
    %dma_wait3A_162 = tpu.memref_slice %arg4[%dma_wait3A_160, %dma_wait3A_161] : memref<1600000x16xf32, #tpu.memory_space<hbm>> -> memref<80x16xf32, #tpu.memory_space<hbm>>
    %dma_wait3A_163 = arith.constant 0 : i32
    %dma_wait3A_164 = arith.constant 0 : i32
    %dma_wait3A_165 = tpu.memref_slice %arg6[%dma_wait3A_151, %dma_wait3A_152, %dma_wait3A_163, %dma_wait3A_164] : memref<2x5x80x16xf32, #tpu.memory_space<vmem>> -> memref<1x1x80x16xf32, #tpu.memory_space<vmem>>
    %dma_wait3A_166 = tpu.memref_squeeze %dma_wait3A_165 : memref<1x1x80x16xf32, #tpu.memory_space<vmem>> -> memref<80x16xf32, #tpu.memory_space<vmem>>
    tpu.wait_dma2 semaphore(%arg8 : memref<!tpu.dma_semaphore, #tpu.memory_space<semaphore_mem>>) src(%dma_wait3A_166 : memref<80x16xf32, #tpu.memory_space<vmem>>) dst(%dma_wait3A_162 : memref<80x16xf32, #tpu.memory_space<hbm>>)
    return
  }
}

module attributes {stable_mosaic.version = 14 : i64} {
  func.func @_tc_body(%arg0: i32, %arg1: memref<2000x256xf32, #tpu.memory_space<vmem>>, %arg2: memref<2000x256xf32, #tpu.memory_space<vmem>>, %arg3: memref<2000x64xf32, #tpu.memory_space<vmem>>, %arg4: memref<320x64xf32, #tpu.memory_space<vmem>>, %arg5: memref<1x64xf32, #tpu.memory_space<vmem>>, %arg6: memref<20x320xf32, #tpu.memory_space<vmem>>, %arg7: memref<16x320xf32, #tpu.memory_space<vmem>>, %arg8: memref<2000x64xf32, #tpu.memory_space<vmem>>) attributes {dimension_semantics = [#tpu.dimension_semantics<arbitrary>], iteration_bounds = array<i64: 50>, scalar_prefetch = 0 : i64, scratch_operands = 0 : i64, tpu.core_type = #tpu.core_type<tc>, window_params = [{transform_indices = @transform_0, window_bounds = array<i64: 2000, 256>}, {transform_indices = @transform_1, window_bounds = array<i64: 2000, 256>}, {transform_indices = @transform_2, window_bounds = array<i64: 2000, 64>}, {pipeline_mode = #tpu.pipeline_mode<synchronous>, transform_indices = @transform_3, window_bounds = array<i64: 320, 64>}, {pipeline_mode = #tpu.pipeline_mode<synchronous>, transform_indices = @transform_4, window_bounds = array<i64: 1, 64>}, {pipeline_mode = #tpu.pipeline_mode<synchronous>, transform_indices = @transform_5, window_bounds = array<i64: 20, 320>}, {pipeline_mode = #tpu.pipeline_mode<synchronous>, transform_indices = @transform_6, window_bounds = array<i64: 16, 320>}, {transform_indices = @transform_7, window_bounds = array<i64: 2000, 64>}]} {
    %get3A = arith.constant 0 : index
    %get3A_0 = arith.constant 0 : index
    %get3A_1 = vector.load %arg6[%get3A, %get3A_0] : memref<20x320xf32, #tpu.memory_space<vmem>>, vector<20x320xf32>
    %get3A_2 = arith.constant 0 : index
    %get3A_3 = arith.constant 0 : index
    %get3A_4 = vector.load %arg7[%get3A_2, %get3A_3] : memref<16x320xf32, #tpu.memory_space<vmem>>, vector<16x320xf32>
    %broadcast_in_dim3A = arith.constant 0.000000e+00 : f32
    %broadcast_in_dim3A_5 = vector.broadcast %broadcast_in_dim3A : f32 to vector<2000x320xf32>
    %get3A_6 = arith.constant 0 : index
    %get3A_7 = arith.constant 0 : index
    %get3A_8 = vector.load %arg1[%get3A_6, %get3A_7] : memref<2000x256xf32, #tpu.memory_space<vmem>>, vector<2000x16xf32>
    %get3A_9 = arith.constant 0 : index
    %get3A_10 = arith.constant 0 : index
    %get3A_11 = vector.load %arg3[%get3A_9, %get3A_10] : memref<2000x64xf32, #tpu.memory_space<vmem>>, vector<2000x4xf32>
    %get3A_12 = arith.constant 0 : index
    %get3A_13 = arith.constant 0 : index
    %get3A_14 = vector.load %arg2[%get3A_12, %get3A_13] : memref<2000x256xf32, #tpu.memory_space<vmem>>, vector<2000x16xf32>
    %concatenate3A = tpu.concatenate %get3A_8, %get3A_11 in 1 : vector<2000x16xf32>, vector<2000x4xf32> -> vector<2000x20xf32>
    %dot_general3A = arith.constant dense<0.000000e+00> : vector<2000x320xf32>
    %dot_general3A_15 = tpu.matmul %concatenate3A, %get3A_1, %dot_general3A {dimension_numbers = #tpu.dot_dimension_numbers<[1], [0], [0], [1], [0, 0, 1, 1], [], []>, transpose_lhs_hint = false} : vector<2000x20xf32>, vector<20x320xf32>, vector<2000x320xf32> -> vector<2000x320xf32>
    %dot_general3A_16 = arith.constant dense<0.000000e+00> : vector<2000x320xf32>
    %dot_general3A_17 = tpu.matmul %get3A_14, %get3A_4, %dot_general3A_16 {dimension_numbers = #tpu.dot_dimension_numbers<[1], [0], [0], [1], [0, 0, 1, 1], [], []>, transpose_lhs_hint = false} : vector<2000x16xf32>, vector<16x320xf32>, vector<2000x320xf32> -> vector<2000x320xf32>
    %mul3A = arith.mulf %dot_general3A_15, %dot_general3A_17 : vector<2000x320xf32>
    %add3A = arith.addf %broadcast_in_dim3A_5, %mul3A : vector<2000x320xf32>
    %get3A_18 = arith.constant 0 : index
    %get3A_19 = arith.constant 16 : index
    %get3A_20 = vector.load %arg1[%get3A_18, %get3A_19] : memref<2000x256xf32, #tpu.memory_space<vmem>>, vector<2000x16xf32>
    %get3A_21 = arith.constant 0 : index
    %get3A_22 = arith.constant 4 : index
    %get3A_23 = vector.load %arg3[%get3A_21, %get3A_22] : memref<2000x64xf32, #tpu.memory_space<vmem>>, vector<2000x4xf32>
    %get3A_24 = arith.constant 0 : index
    %get3A_25 = arith.constant 16 : index
    %get3A_26 = vector.load %arg2[%get3A_24, %get3A_25] : memref<2000x256xf32, #tpu.memory_space<vmem>>, vector<2000x16xf32>
    %concatenate3A_27 = tpu.concatenate %get3A_20, %get3A_23 in 1 : vector<2000x16xf32>, vector<2000x4xf32> -> vector<2000x20xf32>
    %dot_general3A_28 = arith.constant dense<0.000000e+00> : vector<2000x320xf32>
    %dot_general3A_29 = tpu.matmul %concatenate3A_27, %get3A_1, %dot_general3A_28 {dimension_numbers = #tpu.dot_dimension_numbers<[1], [0], [0], [1], [0, 0, 1, 1], [], []>, transpose_lhs_hint = false} : vector<2000x20xf32>, vector<20x320xf32>, vector<2000x320xf32> -> vector<2000x320xf32>
    %dot_general3A_30 = arith.constant dense<0.000000e+00> : vector<2000x320xf32>
    %dot_general3A_31 = tpu.matmul %get3A_26, %get3A_4, %dot_general3A_30 {dimension_numbers = #tpu.dot_dimension_numbers<[1], [0], [0], [1], [0, 0, 1, 1], [], []>, transpose_lhs_hint = false} : vector<2000x16xf32>, vector<16x320xf32>, vector<2000x320xf32> -> vector<2000x320xf32>
    %mul3A_32 = arith.mulf %dot_general3A_29, %dot_general3A_31 : vector<2000x320xf32>
    %add3A_33 = arith.addf %add3A, %mul3A_32 : vector<2000x320xf32>
    %get3A_34 = arith.constant 0 : index
    %get3A_35 = arith.constant 32 : index
    %get3A_36 = vector.load %arg1[%get3A_34, %get3A_35] : memref<2000x256xf32, #tpu.memory_space<vmem>>, vector<2000x16xf32>
    %get3A_37 = arith.constant 0 : index
    %get3A_38 = arith.constant 8 : index
    %get3A_39 = vector.load %arg3[%get3A_37, %get3A_38] : memref<2000x64xf32, #tpu.memory_space<vmem>>, vector<2000x4xf32>
    %get3A_40 = arith.constant 0 : index
    %get3A_41 = arith.constant 32 : index
    %get3A_42 = vector.load %arg2[%get3A_40, %get3A_41] : memref<2000x256xf32, #tpu.memory_space<vmem>>, vector<2000x16xf32>
    %concatenate3A_43 = tpu.concatenate %get3A_36, %get3A_39 in 1 : vector<2000x16xf32>, vector<2000x4xf32> -> vector<2000x20xf32>
    %dot_general3A_44 = arith.constant dense<0.000000e+00> : vector<2000x320xf32>
    %dot_general3A_45 = tpu.matmul %concatenate3A_43, %get3A_1, %dot_general3A_44 {dimension_numbers = #tpu.dot_dimension_numbers<[1], [0], [0], [1], [0, 0, 1, 1], [], []>, transpose_lhs_hint = false} : vector<2000x20xf32>, vector<20x320xf32>, vector<2000x320xf32> -> vector<2000x320xf32>
    %dot_general3A_46 = arith.constant dense<0.000000e+00> : vector<2000x320xf32>
    %dot_general3A_47 = tpu.matmul %get3A_42, %get3A_4, %dot_general3A_46 {dimension_numbers = #tpu.dot_dimension_numbers<[1], [0], [0], [1], [0, 0, 1, 1], [], []>, transpose_lhs_hint = false} : vector<2000x16xf32>, vector<16x320xf32>, vector<2000x320xf32> -> vector<2000x320xf32>
    %mul3A_48 = arith.mulf %dot_general3A_45, %dot_general3A_47 : vector<2000x320xf32>
    %add3A_49 = arith.addf %add3A_33, %mul3A_48 : vector<2000x320xf32>
    %get3A_50 = arith.constant 0 : index
    %get3A_51 = arith.constant 48 : index
    %get3A_52 = vector.load %arg1[%get3A_50, %get3A_51] : memref<2000x256xf32, #tpu.memory_space<vmem>>, vector<2000x16xf32>
    %get3A_53 = arith.constant 0 : index
    %get3A_54 = arith.constant 12 : index
    %get3A_55 = vector.load %arg3[%get3A_53, %get3A_54] : memref<2000x64xf32, #tpu.memory_space<vmem>>, vector<2000x4xf32>
    %get3A_56 = arith.constant 0 : index
    %get3A_57 = arith.constant 48 : index
    %get3A_58 = vector.load %arg2[%get3A_56, %get3A_57] : memref<2000x256xf32, #tpu.memory_space<vmem>>, vector<2000x16xf32>
    %concatenate3A_59 = tpu.concatenate %get3A_52, %get3A_55 in 1 : vector<2000x16xf32>, vector<2000x4xf32> -> vector<2000x20xf32>
    %dot_general3A_60 = arith.constant dense<0.000000e+00> : vector<2000x320xf32>
    %dot_general3A_61 = tpu.matmul %concatenate3A_59, %get3A_1, %dot_general3A_60 {dimension_numbers = #tpu.dot_dimension_numbers<[1], [0], [0], [1], [0, 0, 1, 1], [], []>, transpose_lhs_hint = false} : vector<2000x20xf32>, vector<20x320xf32>, vector<2000x320xf32> -> vector<2000x320xf32>
    %dot_general3A_62 = arith.constant dense<0.000000e+00> : vector<2000x320xf32>
    %dot_general3A_63 = tpu.matmul %get3A_58, %get3A_4, %dot_general3A_62 {dimension_numbers = #tpu.dot_dimension_numbers<[1], [0], [0], [1], [0, 0, 1, 1], [], []>, transpose_lhs_hint = false} : vector<2000x16xf32>, vector<16x320xf32>, vector<2000x320xf32> -> vector<2000x320xf32>
    %mul3A_64 = arith.mulf %dot_general3A_61, %dot_general3A_63 : vector<2000x320xf32>
    %add3A_65 = arith.addf %add3A_49, %mul3A_64 : vector<2000x320xf32>
    %get3A_66 = arith.constant 0 : index
    %get3A_67 = arith.constant 64 : index
    %get3A_68 = vector.load %arg1[%get3A_66, %get3A_67] : memref<2000x256xf32, #tpu.memory_space<vmem>>, vector<2000x16xf32>
    %get3A_69 = arith.constant 0 : index
    %get3A_70 = arith.constant 16 : index
    %get3A_71 = vector.load %arg3[%get3A_69, %get3A_70] : memref<2000x64xf32, #tpu.memory_space<vmem>>, vector<2000x4xf32>
    %get3A_72 = arith.constant 0 : index
    %get3A_73 = arith.constant 64 : index
    %get3A_74 = vector.load %arg2[%get3A_72, %get3A_73] : memref<2000x256xf32, #tpu.memory_space<vmem>>, vector<2000x16xf32>
    %concatenate3A_75 = tpu.concatenate %get3A_68, %get3A_71 in 1 : vector<2000x16xf32>, vector<2000x4xf32> -> vector<2000x20xf32>
    %dot_general3A_76 = arith.constant dense<0.000000e+00> : vector<2000x320xf32>
    %dot_general3A_77 = tpu.matmul %concatenate3A_75, %get3A_1, %dot_general3A_76 {dimension_numbers = #tpu.dot_dimension_numbers<[1], [0], [0], [1], [0, 0, 1, 1], [], []>, transpose_lhs_hint = false} : vector<2000x20xf32>, vector<20x320xf32>, vector<2000x320xf32> -> vector<2000x320xf32>
    %dot_general3A_78 = arith.constant dense<0.000000e+00> : vector<2000x320xf32>
    %dot_general3A_79 = tpu.matmul %get3A_74, %get3A_4, %dot_general3A_78 {dimension_numbers = #tpu.dot_dimension_numbers<[1], [0], [0], [1], [0, 0, 1, 1], [], []>, transpose_lhs_hint = false} : vector<2000x16xf32>, vector<16x320xf32>, vector<2000x320xf32> -> vector<2000x320xf32>
    %mul3A_80 = arith.mulf %dot_general3A_77, %dot_general3A_79 : vector<2000x320xf32>
    %add3A_81 = arith.addf %add3A_65, %mul3A_80 : vector<2000x320xf32>
    %get3A_82 = arith.constant 0 : index
    %get3A_83 = arith.constant 80 : index
    %get3A_84 = vector.load %arg1[%get3A_82, %get3A_83] : memref<2000x256xf32, #tpu.memory_space<vmem>>, vector<2000x16xf32>
    %get3A_85 = arith.constant 0 : index
    %get3A_86 = arith.constant 20 : index
    %get3A_87 = vector.load %arg3[%get3A_85, %get3A_86] : memref<2000x64xf32, #tpu.memory_space<vmem>>, vector<2000x4xf32>
    %get3A_88 = arith.constant 0 : index
    %get3A_89 = arith.constant 80 : index
    %get3A_90 = vector.load %arg2[%get3A_88, %get3A_89] : memref<2000x256xf32, #tpu.memory_space<vmem>>, vector<2000x16xf32>
    %concatenate3A_91 = tpu.concatenate %get3A_84, %get3A_87 in 1 : vector<2000x16xf32>, vector<2000x4xf32> -> vector<2000x20xf32>
    %dot_general3A_92 = arith.constant dense<0.000000e+00> : vector<2000x320xf32>
    %dot_general3A_93 = tpu.matmul %concatenate3A_91, %get3A_1, %dot_general3A_92 {dimension_numbers = #tpu.dot_dimension_numbers<[1], [0], [0], [1], [0, 0, 1, 1], [], []>, transpose_lhs_hint = false} : vector<2000x20xf32>, vector<20x320xf32>, vector<2000x320xf32> -> vector<2000x320xf32>
    %dot_general3A_94 = arith.constant dense<0.000000e+00> : vector<2000x320xf32>
    %dot_general3A_95 = tpu.matmul %get3A_90, %get3A_4, %dot_general3A_94 {dimension_numbers = #tpu.dot_dimension_numbers<[1], [0], [0], [1], [0, 0, 1, 1], [], []>, transpose_lhs_hint = false} : vector<2000x16xf32>, vector<16x320xf32>, vector<2000x320xf32> -> vector<2000x320xf32>
    %mul3A_96 = arith.mulf %dot_general3A_93, %dot_general3A_95 : vector<2000x320xf32>
    %add3A_97 = arith.addf %add3A_81, %mul3A_96 : vector<2000x320xf32>
    %get3A_98 = arith.constant 0 : index
    %get3A_99 = arith.constant 96 : index
    %get3A_100 = vector.load %arg1[%get3A_98, %get3A_99] : memref<2000x256xf32, #tpu.memory_space<vmem>>, vector<2000x16xf32>
    %get3A_101 = arith.constant 0 : index
    %get3A_102 = arith.constant 24 : index
    %get3A_103 = vector.load %arg3[%get3A_101, %get3A_102] : memref<2000x64xf32, #tpu.memory_space<vmem>>, vector<2000x4xf32>
    %get3A_104 = arith.constant 0 : index
    %get3A_105 = arith.constant 96 : index
    %get3A_106 = vector.load %arg2[%get3A_104, %get3A_105] : memref<2000x256xf32, #tpu.memory_space<vmem>>, vector<2000x16xf32>
    %concatenate3A_107 = tpu.concatenate %get3A_100, %get3A_103 in 1 : vector<2000x16xf32>, vector<2000x4xf32> -> vector<2000x20xf32>
    %dot_general3A_108 = arith.constant dense<0.000000e+00> : vector<2000x320xf32>
    %dot_general3A_109 = tpu.matmul %concatenate3A_107, %get3A_1, %dot_general3A_108 {dimension_numbers = #tpu.dot_dimension_numbers<[1], [0], [0], [1], [0, 0, 1, 1], [], []>, transpose_lhs_hint = false} : vector<2000x20xf32>, vector<20x320xf32>, vector<2000x320xf32> -> vector<2000x320xf32>
    %dot_general3A_110 = arith.constant dense<0.000000e+00> : vector<2000x320xf32>
    %dot_general3A_111 = tpu.matmul %get3A_106, %get3A_4, %dot_general3A_110 {dimension_numbers = #tpu.dot_dimension_numbers<[1], [0], [0], [1], [0, 0, 1, 1], [], []>, transpose_lhs_hint = false} : vector<2000x16xf32>, vector<16x320xf32>, vector<2000x320xf32> -> vector<2000x320xf32>
    %mul3A_112 = arith.mulf %dot_general3A_109, %dot_general3A_111 : vector<2000x320xf32>
    %add3A_113 = arith.addf %add3A_97, %mul3A_112 : vector<2000x320xf32>
    %get3A_114 = arith.constant 0 : index
    %get3A_115 = arith.constant 112 : index
    %get3A_116 = vector.load %arg1[%get3A_114, %get3A_115] : memref<2000x256xf32, #tpu.memory_space<vmem>>, vector<2000x16xf32>
    %get3A_117 = arith.constant 0 : index
    %get3A_118 = arith.constant 28 : index
    %get3A_119 = vector.load %arg3[%get3A_117, %get3A_118] : memref<2000x64xf32, #tpu.memory_space<vmem>>, vector<2000x4xf32>
    %get3A_120 = arith.constant 0 : index
    %get3A_121 = arith.constant 112 : index
    %get3A_122 = vector.load %arg2[%get3A_120, %get3A_121] : memref<2000x256xf32, #tpu.memory_space<vmem>>, vector<2000x16xf32>
    %concatenate3A_123 = tpu.concatenate %get3A_116, %get3A_119 in 1 : vector<2000x16xf32>, vector<2000x4xf32> -> vector<2000x20xf32>
    %dot_general3A_124 = arith.constant dense<0.000000e+00> : vector<2000x320xf32>
    %dot_general3A_125 = tpu.matmul %concatenate3A_123, %get3A_1, %dot_general3A_124 {dimension_numbers = #tpu.dot_dimension_numbers<[1], [0], [0], [1], [0, 0, 1, 1], [], []>, transpose_lhs_hint = false} : vector<2000x20xf32>, vector<20x320xf32>, vector<2000x320xf32> -> vector<2000x320xf32>
    %dot_general3A_126 = arith.constant dense<0.000000e+00> : vector<2000x320xf32>
    %dot_general3A_127 = tpu.matmul %get3A_122, %get3A_4, %dot_general3A_126 {dimension_numbers = #tpu.dot_dimension_numbers<[1], [0], [0], [1], [0, 0, 1, 1], [], []>, transpose_lhs_hint = false} : vector<2000x16xf32>, vector<16x320xf32>, vector<2000x320xf32> -> vector<2000x320xf32>
    %mul3A_128 = arith.mulf %dot_general3A_125, %dot_general3A_127 : vector<2000x320xf32>
    %add3A_129 = arith.addf %add3A_113, %mul3A_128 : vector<2000x320xf32>
    %get3A_130 = arith.constant 0 : index
    %get3A_131 = arith.constant 128 : index
    %get3A_132 = vector.load %arg1[%get3A_130, %get3A_131] : memref<2000x256xf32, #tpu.memory_space<vmem>>, vector<2000x16xf32>
    %get3A_133 = arith.constant 0 : index
    %get3A_134 = arith.constant 32 : index
    %get3A_135 = vector.load %arg3[%get3A_133, %get3A_134] : memref<2000x64xf32, #tpu.memory_space<vmem>>, vector<2000x4xf32>
    %get3A_136 = arith.constant 0 : index
    %get3A_137 = arith.constant 128 : index
    %get3A_138 = vector.load %arg2[%get3A_136, %get3A_137] : memref<2000x256xf32, #tpu.memory_space<vmem>>, vector<2000x16xf32>
    %concatenate3A_139 = tpu.concatenate %get3A_132, %get3A_135 in 1 : vector<2000x16xf32>, vector<2000x4xf32> -> vector<2000x20xf32>
    %dot_general3A_140 = arith.constant dense<0.000000e+00> : vector<2000x320xf32>
    %dot_general3A_141 = tpu.matmul %concatenate3A_139, %get3A_1, %dot_general3A_140 {dimension_numbers = #tpu.dot_dimension_numbers<[1], [0], [0], [1], [0, 0, 1, 1], [], []>, transpose_lhs_hint = false} : vector<2000x20xf32>, vector<20x320xf32>, vector<2000x320xf32> -> vector<2000x320xf32>
    %dot_general3A_142 = arith.constant dense<0.000000e+00> : vector<2000x320xf32>
    %dot_general3A_143 = tpu.matmul %get3A_138, %get3A_4, %dot_general3A_142 {dimension_numbers = #tpu.dot_dimension_numbers<[1], [0], [0], [1], [0, 0, 1, 1], [], []>, transpose_lhs_hint = false} : vector<2000x16xf32>, vector<16x320xf32>, vector<2000x320xf32> -> vector<2000x320xf32>
    %mul3A_144 = arith.mulf %dot_general3A_141, %dot_general3A_143 : vector<2000x320xf32>
    %add3A_145 = arith.addf %add3A_129, %mul3A_144 : vector<2000x320xf32>
    %get3A_146 = arith.constant 0 : index
    %get3A_147 = arith.constant 144 : index
    %get3A_148 = vector.load %arg1[%get3A_146, %get3A_147] : memref<2000x256xf32, #tpu.memory_space<vmem>>, vector<2000x16xf32>
    %get3A_149 = arith.constant 0 : index
    %get3A_150 = arith.constant 36 : index
    %get3A_151 = vector.load %arg3[%get3A_149, %get3A_150] : memref<2000x64xf32, #tpu.memory_space<vmem>>, vector<2000x4xf32>
    %get3A_152 = arith.constant 0 : index
    %get3A_153 = arith.constant 144 : index
    %get3A_154 = vector.load %arg2[%get3A_152, %get3A_153] : memref<2000x256xf32, #tpu.memory_space<vmem>>, vector<2000x16xf32>
    %concatenate3A_155 = tpu.concatenate %get3A_148, %get3A_151 in 1 : vector<2000x16xf32>, vector<2000x4xf32> -> vector<2000x20xf32>
    %dot_general3A_156 = arith.constant dense<0.000000e+00> : vector<2000x320xf32>
    %dot_general3A_157 = tpu.matmul %concatenate3A_155, %get3A_1, %dot_general3A_156 {dimension_numbers = #tpu.dot_dimension_numbers<[1], [0], [0], [1], [0, 0, 1, 1], [], []>, transpose_lhs_hint = false} : vector<2000x20xf32>, vector<20x320xf32>, vector<2000x320xf32> -> vector<2000x320xf32>
    %dot_general3A_158 = arith.constant dense<0.000000e+00> : vector<2000x320xf32>
    %dot_general3A_159 = tpu.matmul %get3A_154, %get3A_4, %dot_general3A_158 {dimension_numbers = #tpu.dot_dimension_numbers<[1], [0], [0], [1], [0, 0, 1, 1], [], []>, transpose_lhs_hint = false} : vector<2000x16xf32>, vector<16x320xf32>, vector<2000x320xf32> -> vector<2000x320xf32>
    %mul3A_160 = arith.mulf %dot_general3A_157, %dot_general3A_159 : vector<2000x320xf32>
    %add3A_161 = arith.addf %add3A_145, %mul3A_160 : vector<2000x320xf32>
    %get3A_162 = arith.constant 0 : index
    %get3A_163 = arith.constant 160 : index
    %get3A_164 = vector.load %arg1[%get3A_162, %get3A_163] : memref<2000x256xf32, #tpu.memory_space<vmem>>, vector<2000x16xf32>
    %get3A_165 = arith.constant 0 : index
    %get3A_166 = arith.constant 40 : index
    %get3A_167 = vector.load %arg3[%get3A_165, %get3A_166] : memref<2000x64xf32, #tpu.memory_space<vmem>>, vector<2000x4xf32>
    %get3A_168 = arith.constant 0 : index
    %get3A_169 = arith.constant 160 : index
    %get3A_170 = vector.load %arg2[%get3A_168, %get3A_169] : memref<2000x256xf32, #tpu.memory_space<vmem>>, vector<2000x16xf32>
    %concatenate3A_171 = tpu.concatenate %get3A_164, %get3A_167 in 1 : vector<2000x16xf32>, vector<2000x4xf32> -> vector<2000x20xf32>
    %dot_general3A_172 = arith.constant dense<0.000000e+00> : vector<2000x320xf32>
    %dot_general3A_173 = tpu.matmul %concatenate3A_171, %get3A_1, %dot_general3A_172 {dimension_numbers = #tpu.dot_dimension_numbers<[1], [0], [0], [1], [0, 0, 1, 1], [], []>, transpose_lhs_hint = false} : vector<2000x20xf32>, vector<20x320xf32>, vector<2000x320xf32> -> vector<2000x320xf32>
    %dot_general3A_174 = arith.constant dense<0.000000e+00> : vector<2000x320xf32>
    %dot_general3A_175 = tpu.matmul %get3A_170, %get3A_4, %dot_general3A_174 {dimension_numbers = #tpu.dot_dimension_numbers<[1], [0], [0], [1], [0, 0, 1, 1], [], []>, transpose_lhs_hint = false} : vector<2000x16xf32>, vector<16x320xf32>, vector<2000x320xf32> -> vector<2000x320xf32>
    %mul3A_176 = arith.mulf %dot_general3A_173, %dot_general3A_175 : vector<2000x320xf32>
    %add3A_177 = arith.addf %add3A_161, %mul3A_176 : vector<2000x320xf32>
    %get3A_178 = arith.constant 0 : index
    %get3A_179 = arith.constant 176 : index
    %get3A_180 = vector.load %arg1[%get3A_178, %get3A_179] : memref<2000x256xf32, #tpu.memory_space<vmem>>, vector<2000x16xf32>
    %get3A_181 = arith.constant 0 : index
    %get3A_182 = arith.constant 44 : index
    %get3A_183 = vector.load %arg3[%get3A_181, %get3A_182] : memref<2000x64xf32, #tpu.memory_space<vmem>>, vector<2000x4xf32>
    %get3A_184 = arith.constant 0 : index
    %get3A_185 = arith.constant 176 : index
    %get3A_186 = vector.load %arg2[%get3A_184, %get3A_185] : memref<2000x256xf32, #tpu.memory_space<vmem>>, vector<2000x16xf32>
    %concatenate3A_187 = tpu.concatenate %get3A_180, %get3A_183 in 1 : vector<2000x16xf32>, vector<2000x4xf32> -> vector<2000x20xf32>
    %dot_general3A_188 = arith.constant dense<0.000000e+00> : vector<2000x320xf32>
    %dot_general3A_189 = tpu.matmul %concatenate3A_187, %get3A_1, %dot_general3A_188 {dimension_numbers = #tpu.dot_dimension_numbers<[1], [0], [0], [1], [0, 0, 1, 1], [], []>, transpose_lhs_hint = false} : vector<2000x20xf32>, vector<20x320xf32>, vector<2000x320xf32> -> vector<2000x320xf32>
    %dot_general3A_190 = arith.constant dense<0.000000e+00> : vector<2000x320xf32>
    %dot_general3A_191 = tpu.matmul %get3A_186, %get3A_4, %dot_general3A_190 {dimension_numbers = #tpu.dot_dimension_numbers<[1], [0], [0], [1], [0, 0, 1, 1], [], []>, transpose_lhs_hint = false} : vector<2000x16xf32>, vector<16x320xf32>, vector<2000x320xf32> -> vector<2000x320xf32>
    %mul3A_192 = arith.mulf %dot_general3A_189, %dot_general3A_191 : vector<2000x320xf32>
    %add3A_193 = arith.addf %add3A_177, %mul3A_192 : vector<2000x320xf32>
    %get3A_194 = arith.constant 0 : index
    %get3A_195 = arith.constant 192 : index
    %get3A_196 = vector.load %arg1[%get3A_194, %get3A_195] : memref<2000x256xf32, #tpu.memory_space<vmem>>, vector<2000x16xf32>
    %get3A_197 = arith.constant 0 : index
    %get3A_198 = arith.constant 48 : index
    %get3A_199 = vector.load %arg3[%get3A_197, %get3A_198] : memref<2000x64xf32, #tpu.memory_space<vmem>>, vector<2000x4xf32>
    %get3A_200 = arith.constant 0 : index
    %get3A_201 = arith.constant 192 : index
    %get3A_202 = vector.load %arg2[%get3A_200, %get3A_201] : memref<2000x256xf32, #tpu.memory_space<vmem>>, vector<2000x16xf32>
    %concatenate3A_203 = tpu.concatenate %get3A_196, %get3A_199 in 1 : vector<2000x16xf32>, vector<2000x4xf32> -> vector<2000x20xf32>
    %dot_general3A_204 = arith.constant dense<0.000000e+00> : vector<2000x320xf32>
    %dot_general3A_205 = tpu.matmul %concatenate3A_203, %get3A_1, %dot_general3A_204 {dimension_numbers = #tpu.dot_dimension_numbers<[1], [0], [0], [1], [0, 0, 1, 1], [], []>, transpose_lhs_hint = false} : vector<2000x20xf32>, vector<20x320xf32>, vector<2000x320xf32> -> vector<2000x320xf32>
    %dot_general3A_206 = arith.constant dense<0.000000e+00> : vector<2000x320xf32>
    %dot_general3A_207 = tpu.matmul %get3A_202, %get3A_4, %dot_general3A_206 {dimension_numbers = #tpu.dot_dimension_numbers<[1], [0], [0], [1], [0, 0, 1, 1], [], []>, transpose_lhs_hint = false} : vector<2000x16xf32>, vector<16x320xf32>, vector<2000x320xf32> -> vector<2000x320xf32>
    %mul3A_208 = arith.mulf %dot_general3A_205, %dot_general3A_207 : vector<2000x320xf32>
    %add3A_209 = arith.addf %add3A_193, %mul3A_208 : vector<2000x320xf32>
    %get3A_210 = arith.constant 0 : index
    %get3A_211 = arith.constant 208 : index
    %get3A_212 = vector.load %arg1[%get3A_210, %get3A_211] : memref<2000x256xf32, #tpu.memory_space<vmem>>, vector<2000x16xf32>
    %get3A_213 = arith.constant 0 : index
    %get3A_214 = arith.constant 52 : index
    %get3A_215 = vector.load %arg3[%get3A_213, %get3A_214] : memref<2000x64xf32, #tpu.memory_space<vmem>>, vector<2000x4xf32>
    %get3A_216 = arith.constant 0 : index
    %get3A_217 = arith.constant 208 : index
    %get3A_218 = vector.load %arg2[%get3A_216, %get3A_217] : memref<2000x256xf32, #tpu.memory_space<vmem>>, vector<2000x16xf32>
    %concatenate3A_219 = tpu.concatenate %get3A_212, %get3A_215 in 1 : vector<2000x16xf32>, vector<2000x4xf32> -> vector<2000x20xf32>
    %dot_general3A_220 = arith.constant dense<0.000000e+00> : vector<2000x320xf32>
    %dot_general3A_221 = tpu.matmul %concatenate3A_219, %get3A_1, %dot_general3A_220 {dimension_numbers = #tpu.dot_dimension_numbers<[1], [0], [0], [1], [0, 0, 1, 1], [], []>, transpose_lhs_hint = false} : vector<2000x20xf32>, vector<20x320xf32>, vector<2000x320xf32> -> vector<2000x320xf32>
    %dot_general3A_222 = arith.constant dense<0.000000e+00> : vector<2000x320xf32>
    %dot_general3A_223 = tpu.matmul %get3A_218, %get3A_4, %dot_general3A_222 {dimension_numbers = #tpu.dot_dimension_numbers<[1], [0], [0], [1], [0, 0, 1, 1], [], []>, transpose_lhs_hint = false} : vector<2000x16xf32>, vector<16x320xf32>, vector<2000x320xf32> -> vector<2000x320xf32>
    %mul3A_224 = arith.mulf %dot_general3A_221, %dot_general3A_223 : vector<2000x320xf32>
    %add3A_225 = arith.addf %add3A_209, %mul3A_224 : vector<2000x320xf32>
    %get3A_226 = arith.constant 0 : index
    %get3A_227 = arith.constant 224 : index
    %get3A_228 = vector.load %arg1[%get3A_226, %get3A_227] : memref<2000x256xf32, #tpu.memory_space<vmem>>, vector<2000x16xf32>
    %get3A_229 = arith.constant 0 : index
    %get3A_230 = arith.constant 56 : index
    %get3A_231 = vector.load %arg3[%get3A_229, %get3A_230] : memref<2000x64xf32, #tpu.memory_space<vmem>>, vector<2000x4xf32>
    %get3A_232 = arith.constant 0 : index
    %get3A_233 = arith.constant 224 : index
    %get3A_234 = vector.load %arg2[%get3A_232, %get3A_233] : memref<2000x256xf32, #tpu.memory_space<vmem>>, vector<2000x16xf32>
    %concatenate3A_235 = tpu.concatenate %get3A_228, %get3A_231 in 1 : vector<2000x16xf32>, vector<2000x4xf32> -> vector<2000x20xf32>
    %dot_general3A_236 = arith.constant dense<0.000000e+00> : vector<2000x320xf32>
    %dot_general3A_237 = tpu.matmul %concatenate3A_235, %get3A_1, %dot_general3A_236 {dimension_numbers = #tpu.dot_dimension_numbers<[1], [0], [0], [1], [0, 0, 1, 1], [], []>, transpose_lhs_hint = false} : vector<2000x20xf32>, vector<20x320xf32>, vector<2000x320xf32> -> vector<2000x320xf32>
    %dot_general3A_238 = arith.constant dense<0.000000e+00> : vector<2000x320xf32>
    %dot_general3A_239 = tpu.matmul %get3A_234, %get3A_4, %dot_general3A_238 {dimension_numbers = #tpu.dot_dimension_numbers<[1], [0], [0], [1], [0, 0, 1, 1], [], []>, transpose_lhs_hint = false} : vector<2000x16xf32>, vector<16x320xf32>, vector<2000x320xf32> -> vector<2000x320xf32>
    %mul3A_240 = arith.mulf %dot_general3A_237, %dot_general3A_239 : vector<2000x320xf32>
    %add3A_241 = arith.addf %add3A_225, %mul3A_240 : vector<2000x320xf32>
    %get3A_242 = arith.constant 0 : index
    %get3A_243 = arith.constant 240 : index
    %get3A_244 = vector.load %arg1[%get3A_242, %get3A_243] : memref<2000x256xf32, #tpu.memory_space<vmem>>, vector<2000x16xf32>
    %get3A_245 = arith.constant 0 : index
    %get3A_246 = arith.constant 60 : index
    %get3A_247 = vector.load %arg3[%get3A_245, %get3A_246] : memref<2000x64xf32, #tpu.memory_space<vmem>>, vector<2000x4xf32>
    %get3A_248 = arith.constant 0 : index
    %get3A_249 = arith.constant 240 : index
    %get3A_250 = vector.load %arg2[%get3A_248, %get3A_249] : memref<2000x256xf32, #tpu.memory_space<vmem>>, vector<2000x16xf32>
    %concatenate3A_251 = tpu.concatenate %get3A_244, %get3A_247 in 1 : vector<2000x16xf32>, vector<2000x4xf32> -> vector<2000x20xf32>
    %dot_general3A_252 = arith.constant dense<0.000000e+00> : vector<2000x320xf32>
    %dot_general3A_253 = tpu.matmul %concatenate3A_251, %get3A_1, %dot_general3A_252 {dimension_numbers = #tpu.dot_dimension_numbers<[1], [0], [0], [1], [0, 0, 1, 1], [], []>, transpose_lhs_hint = false} : vector<2000x20xf32>, vector<20x320xf32>, vector<2000x320xf32> -> vector<2000x320xf32>
    %dot_general3A_254 = arith.constant dense<0.000000e+00> : vector<2000x320xf32>
    %dot_general3A_255 = tpu.matmul %get3A_250, %get3A_4, %dot_general3A_254 {dimension_numbers = #tpu.dot_dimension_numbers<[1], [0], [0], [1], [0, 0, 1, 1], [], []>, transpose_lhs_hint = false} : vector<2000x16xf32>, vector<16x320xf32>, vector<2000x320xf32> -> vector<2000x320xf32>
    %mul3A_256 = arith.mulf %dot_general3A_253, %dot_general3A_255 : vector<2000x320xf32>
    %add3A_257 = arith.addf %add3A_241, %mul3A_256 : vector<2000x320xf32>
    %get3A_258 = arith.constant 0 : index
    %get3A_259 = arith.constant 0 : index
    %get3A_260 = vector.load %arg4[%get3A_258, %get3A_259] : memref<320x64xf32, #tpu.memory_space<vmem>>, vector<320x64xf32>
    %dot_general3A_261 = arith.constant dense<0.000000e+00> : vector<2000x64xf32>
    %dot_general3A_262 = tpu.matmul %add3A_257, %get3A_260, %dot_general3A_261 {dimension_numbers = #tpu.dot_dimension_numbers<[1], [0], [0], [1], [0, 0, 1, 1], [], []>, transpose_lhs_hint = false} : vector<2000x320xf32>, vector<320x64xf32>, vector<2000x64xf32> -> vector<2000x64xf32>
    %get3A_263 = arith.constant 0 : index
    %get3A_264 = arith.constant 0 : index
    %get3A_265 = vector.load %arg5[%get3A_263, %get3A_264] : memref<1x64xf32, #tpu.memory_space<vmem>>, vector<1x64xf32>
    %add3A_266 = vector.broadcast %get3A_265 : vector<1x64xf32> to vector<2000x64xf32>
    %add3A_267 = arith.addf %dot_general3A_262, %add3A_266 : vector<2000x64xf32>
    %swap3A = arith.constant 0 : index
    %swap3A_268 = arith.constant 0 : index
    %swap3A_269 = vector.load %arg8[%swap3A, %swap3A_268] : memref<2000x64xf32, #tpu.memory_space<vmem>>, vector<2000x64xf32>
    tpu.vector_store %arg8[%swap3A, %swap3A_268], %add3A_267 {strides = array<i32>} : memref<2000x64xf32, #tpu.memory_space<vmem>>, vector<2000x64xf32>,
    return
  }
  func.func @transform_0(%arg0: i32) -> (i32, i32) {
    %c0_i32 = arith.constant 0 : i32
    %c0_i32_0 = arith.constant 0 : i32
    return %arg0, %c0_i32 : i32, i32
  }
  func.func @transform_1(%arg0: i32) -> (i32, i32) {
    %c0_i32 = arith.constant 0 : i32
    %c0_i32_0 = arith.constant 0 : i32
    return %arg0, %c0_i32 : i32, i32
  }
  func.func @transform_2(%arg0: i32) -> (i32, i32) {
    %c0_i32 = arith.constant 0 : i32
    %c0_i32_0 = arith.constant 0 : i32
    return %arg0, %c0_i32 : i32, i32
  }
  func.func @transform_3(%arg0: i32) -> (i32, i32) {
    %c0_i32 = arith.constant 0 : i32
    %c0_i32_0 = arith.constant 0 : i32
    %c0_i32_1 = arith.constant 0 : i32
    return %c0_i32, %c0_i32_0 : i32, i32
  }
  func.func @transform_4(%arg0: i32) -> (i32, i32) {
    %c0_i32 = arith.constant 0 : i32
    %c0_i32_0 = arith.constant 0 : i32
    %c0_i32_1 = arith.constant 0 : i32
    return %c0_i32, %c0_i32_0 : i32, i32
  }
  func.func @transform_5(%arg0: i32) -> (i32, i32) {
    %c0_i32 = arith.constant 0 : i32
    %c0_i32_0 = arith.constant 0 : i32
    %c0_i32_1 = arith.constant 0 : i32
    return %c0_i32, %c0_i32_0 : i32, i32
  }
  func.func @transform_6(%arg0: i32) -> (i32, i32) {
    %c0_i32 = arith.constant 0 : i32
    %c0_i32_0 = arith.constant 0 : i32
    %c0_i32_1 = arith.constant 0 : i32
    return %c0_i32, %c0_i32_0 : i32, i32
  }
  func.func @transform_7(%arg0: i32) -> (i32, i32) {
    %c0_i32 = arith.constant 0 : i32
    %c0_i32_0 = arith.constant 0 : i32
    return %arg0, %c0_i32 : i32, i32
  }
}

</mosaic_0001>

<sc_bundles>
// kernel: kernel.4.cloned.1.call-start
scs
__scs_entry_jumppad:
0x0: {  	(pc) =	sbr.rel $0x88, $3  }
0x1: {  	(tag) =	ssettag $0x0;
	lr =	simm.s32 $0x1  }
0x2: {  	[smem:$0x3F9B] =	sst lr;
	_ =	strace $0xD0000000  }
0x3: {  	_ = 	snop  }
0x4: {  	_ = 	snop  }
0x5: {  	_ = 	snop  }
0x6: {  	_ = 	snop  }
0x7: {  	_ = 	snop  }
__scs_overlays_trampoline_lowered:
0x8: {  	[smem:$0x3FAA] =	sst s0  }
0x9: {  	[smem:$0x3FAB] =	sst s1  }
0xa: {  	[smem:$0x3FAC] =	sst s2  }
0xb: {  	[smem:$0x3FAD] =	sst s3  }
0xc: {  	[smem:$0x3FAE] =	sst s4  }
0xd: {  	[smem:$0x3FAF] =	sst s5  }
0xe: {  	[smem:$0x3FB0] =	sst s6  }
0xf: {  	[smem:$0x3FB1] =	sst s7  }
0x10: {  	[smem:$0x3FB2] =	sst s8  }
0x11: {  	[smem:$0x3FB3] =	sst s9;
	s0 =	simm.s32 @!p0 $0x0  }
0x12: {  	s1 =	sld [smem:$0x3F99];
	s0 =	simm.s32 @p0 $0x1  }
0x13: {  	[smem:$0x3FB4] =	sst s0;
	s0 =	simm.s32 @!p1 $0x0  }
0x14: {  	s2 =	sld [smem:$0x3F98];
	s0 =	simm.s32 @p1 $0x1  }
0x15: {  	[smem:$0x3FB5] =	sst s0;
	s0 =	simm.s32 @!p2 $0x0  }
0x16: {  	s3 =	sld [smem:$0x3FDB];
	s0 =	simm.s32 @p2 $0x1  }
0x17: {  	s4 =	simm.s32 $0x1BF5;
	[smem:$0x3FB7] =	sst s0  }
0x18: {  	s0 =	sld [smem:$0x3F9A];
	_ =	swait.ge [sflag:s4], $0x0  }
0x19: {  	s7 =	sld [smem:$0x3F9B]  }
0x1a: {  	s8 =	sadd.s32 $0xFFFFE003, lr  }
0x1b: {  	s9 =	sadd.s32 $0xFFFFFEF7, lr;
	s5 =	simm.s32 $0xFFFFFFFF;
	p2 =	slt.u32 s8, $0xFFFFF086  }
0x1c: {  	p1 =	slt.u32 s9, $0xF7A;
	s5 =	simm.s32 @!p2 $0x0  }
0x1d: {  	s5 =	simm.s32 @p1 $0x1;
	p0 =	seq.s32 s7, s2  }
0x1e: {  	s7 =	smul.u32 @!p0 $0xF7A, s2;
	p2 =	seq.s32 @!p0 s5, $0x0  }
0x1f: {  	s9 =	smul.u32 $0xF7A, s1;
	s8 =	simm.s32 @!p0 $0x1BF5;
	p2 =	por !p2, p0  }
0x20: {  	[sflag:s8] =	ssyncset.s32 @!p0 $0xFFFFF086;
	s6 =	sadd.s32 @!p0 s3, s7;
	s7 =	simm.s32 @!p0 $0x108  }
0x21: {  	s3 =	sadd.s32 s3, s9;
	s6 =	sadd.s32 @!p0 $0x88, s6;
	s7 =	simm.s32 @p2 $0x1082  }
0x22: {  	[simem:s7], [sflag:s8] =	dma.local @!p0 [hbm:s6], $0xF7A  }
0x23: {  	s9 =	sor.u32 $0xD0000000, s2;
	s6 =	simm.s32 $0x108;
	_ =	swait.ge @!p0 [sflag:s8], $0x0  }
0x24: {  	s3 =	sadd.s32 $0x88, s3;
	s6 =	simm.s32 @!p1 $0x1082;
	[sflag:s4] =	ssyncset.s32 $0xFFFFF086  }
0x25: {  	[simem:s6], [sflag:s4] =	dma.local [hbm:s3], $0xF7A  }
0x26: {  	[smem:$0x3F9B] =	sst s1;
	(tag) =	ssettag s2;
	_ =	strace s9  }
0x27: {  	s1 =	sld [smem:$0x3FAB]  }
0x28: {  	s2 =	sld [smem:$0x3FAC]  }
0x29: {  	s4 =	sld [smem:$0x3FAE]  }
0x2a: {  	p0 =	seq.s32 s5, $0x0;
	s5 =	sld [smem:$0x3FAF]  }
0x2b: {  	s6 =	sld [smem:$0x3FB0]  }
0x2c: {  	s7 =	sld [smem:$0x3FB1]  }
0x2d: {  	s3 =	simm.s32 $0x108;
	s8 =	sld [smem:$0x3FB2]  }
0x2e: {  	s3 =	simm.s32 @!p0 $0x1082;
	s9 =	sld [smem:$0x3FB3]  }
0x2f: {  	lr =	sadd.s32 s0, s3;
	s0 =	sld [smem:$0x3FAA]  }
0x30: {  	s3 =	sld [smem:$0x3FAD]  }
0x31: {  	[smem:$0x3FB6] =	sst s10  }
0x32: {  	s10 =	sld [smem:$0x3FB4];
	_ =	sdelay $0x3  }
0x33: {  	p0 =	seq.s32 s10, $0x1;
	s10 =	sld [smem:$0x3FB6];
	_ =	sdelay $0x3  }
0x34: {  	[smem:$0x3FB6] =	sst s10  }
0x35: {  	s10 =	sld [smem:$0x3FB5];
	_ =	sdelay $0x3  }
0x36: {  	p1 =	seq.s32 s10, $0x1;
	s10 =	sld [smem:$0x3FB6];
	_ =	sdelay $0x3  }
0x37: {  	[smem:$0x3FB6] =	sst s10  }
0x38: {  	s10 =	sld [smem:$0x3FB7]  }
0x39: {  	_ = 	snop;
	(pc) =	sbr.ind lr, $3  }
0x3a: {  	_ = 	snop  }
0x3b: {  	_ = 	snop  }
0x3c: {  	p2 =	seq.s32 s10, $0x1;
	s10 =	sld [smem:$0x3FB6]  }
0x3d: {  	_ =	shalt  }
0x3e: {  	_ =	shalt  }
0x3f: {  	_ =	shalt  }
0x40: {  	_ =	shalt  }
0x41: {  	_ =	shalt  }
0x42: {  	_ =	shalt  }
0x43: {  	_ =	shalt  }
0x44: {  	_ =	shalt  }
0x45: {  	_ =	shalt  }
0x46: {  	_ =	shalt  }
0x47: {  	_ =	shalt  }
0x48: {  	_ =	shalt  }
0x49: {  	_ =	shalt  }
0x4a: {  	_ =	shalt  }
0x4b: {  	_ =	shalt  }
0x4c: {  	_ =	shalt  }
0x4d: {  	_ =	shalt  }
0x4e: {  	_ =	shalt  }
0x4f: {  	_ =	shalt  }
0x50: {  	_ =	shalt  }
0x51: {  	_ =	shalt  }
0x52: {  	_ =	shalt  }
0x53: {  	_ =	shalt  }
0x54: {  	_ =	shalt  }
0x55: {  	_ =	shalt  }
0x56: {  	_ =	shalt  }
0x57: {  	_ =	shalt  }
0x58: {  	_ =	shalt  }
0x59: {  	_ =	shalt  }
0x5a: {  	_ =	shalt  }
0x5b: {  	_ =	shalt  }
0x5c: {  	_ =	shalt  }
0x5d: {  	_ =	shalt  }
0x5e: {  	_ =	shalt  }
0x5f: {  	_ =	shalt  }
0x60: {  	_ =	shalt  }
0x61: {  	_ =	shalt  }
0x62: {  	_ =	shalt  }
0x63: {  	_ =	shalt  }
0x64: {  	_ =	shalt  }
0x65: {  	_ =	shalt  }
0x66: {  	_ =	shalt  }
0x67: {  	_ =	shalt  }
0x68: {  	_ =	shalt  }
0x69: {  	_ =	shalt  }
0x6a: {  	_ =	shalt  }
0x6b: {  	_ =	shalt  }
0x6c: {  	_ =	shalt  }
0x6d: {  	_ =	shalt  }
0x6e: {  	_ =	shalt  }
0x6f: {  	_ =	shalt  }
0x70: {  	_ =	shalt  }
0x71: {  	_ =	shalt  }
0x72: {  	_ =	shalt  }
0x73: {  	_ =	shalt  }
0x74: {  	_ =	shalt  }
0x75: {  	_ =	shalt  }
0x76: {  	_ =	shalt  }
0x77: {  	_ =	shalt  }
0x78: {  	_ =	shalt  }
0x79: {  	_ =	shalt  }
0x7a: {  	_ =	shalt  }
0x7b: {  	_ =	shalt  }
0x7c: {  	_ =	shalt  }
0x7d: {  	_ =	shalt  }
0x7e: {  	_ =	shalt  }
0x7f: {  	_ =	shalt  }
0x80: {  	_ =	shalt  }
0x81: {  	_ =	shalt  }
0x82: {  	_ =	shalt  }
0x83: {  	_ =	shalt  }
0x84: {  	_ =	shalt  }
0x85: {  	_ =	shalt  }
0x86: {  	_ =	shalt  }
0x87: {  	_ =	shalt  }
.Lfunc_end0:
.L_simem_size_0:
called_computation_lowered:
.L_overlay_start_0:
0x88: {  	s2 =	sld [smem:$0x3FD9]  }
0x89: {  	s3 =	sld [smem:$0x3FFE];
	_ =	sdelay $0x1  }
0x8a: {  	s1 =	srdreg.scid  }
0x8b: {  	s0 =	sand.u32 $0x1, s1  }
0x8c: {  	s16 =	sshll.u32 s0, $0xA;
	s2 =	sadd.s32 s3, s2  }
0x8d: {  	s2 =	sadd.s32 s2, s16  }
0x8e: {  	[smem:$0x3FC2] =	sst s2  }
0x8f: {  	_ = 	snop  }
0x90: {  	(tm) =	ssettm $0x1  }
0x91: {  	s17 =	sld [smem:$0x3FFB];
	_ =	sdelay $0x3  }
0x92: {  	_ =	strace s17  }
0x93: {  	s2 =	sld [smem:$0x3FFC];
	_ =	sdelay $0x3  }
0x94: {  	_ =	strace s2  }
0x95: {  	s2 =	sld [smem:$0x3FFD];
	_ =	sdelay $0x3  }
0x96: {  	_ =	strace s2  }
0x97: {  	_ =	strace $0x8FFFFFFF  }
0x98: {  	s18 =	sld [smem:$0x3FDB];
	_ =	sdelay $0x1  }
0x99: {  	s19 =	simm.s32 $_scs_section_size  }
0x9a: {  	s4 =	simm.s32 $_size__tile_overlayer_lowered;
	s5 =	simm.s32 $_tile_overlayer_lowered  }
0x9b: {  	s22 =	simm.s32 $0x1BFF;
	s21 =	sshll.u32 s5, $0x1;
	s2 =	sadd.s32 s19, s18  }
0x9c: {  	s6 =	simm.s32 $0x0;
	s20 =	sshll.u32 s4, $0x1;
	s4 =	sadd.s32 s21, s2  }
0x9d: {  	[timem:s6], [sflag:s22] =	dma.local [hbm:s4], s20  }
0x9e: {  	_ =	swait.ge [sflag:s22], s20  }
0x9f: {  	s3 =	ssub.s32 $0x0, s20;
	[sflag:s22] =	ssyncset.done $0x0  }
0xa0: {  	[sflag:s22] =	ssyncadd.s32 s3;
	_ =	sdelay $0x1  }
0xa1: {  	s23 =	simm.s32 $0x1B8B  }
0xa2: {  	_ =	swait.ge [sflag:s23], $0x1  }
0xa3: {  	[sflag:s23] =	ssyncset.done $0x0  }
0xa4: {  	s25 =	simm.s32 $0x1B8E;
	s24 =	sld [smem:$0x3FFE];
	[sflag:s23] =	ssyncadd.s32 $0xFFFFFFFF  }
0xa5: {  	s26 =	simm.s32 $execute0_lowered;
	[smem:$0x3FD2] =	sst s25  }
0xa6: {  	s4 =	sshll.u32 s26, $0x1;
	_ =	strace $0x80000046;
	[dreg:$0x1] =	wrdreg $0xFFFFFFFF  }
0xa7: {  	s28 =	simm.s32 $_size_execute0_lowered;
	s2 =	sadd.s32 s2, s4;
	[dreg:$0x0] =	wrdreg $0x0  }
0xa8: {  	s4 =	sshll.u32 s28, $0x1;
	[dreg:$0x2] =	wrdreg s2  }
0xa9: {  	[dreg:$0x3] =	wrdreg s4  }
0xaa: {  	[dreg:$0x4] =	wrdreg $0xC0  }
0xab: {  	_ =	task [dreg:s6], $0x5FFFF  }
0xac: {  	[dreg:$0x1] =	wrdreg $0xFFFFFFFF  }
0xad: {  	[dreg:$0x0] =	wrdreg $0x60  }
0xae: {  	[dreg:$0x2] =	wrdreg s24  }
0xaf: {  	[dreg:$0x3] =	wrdreg $0x9  }
0xb0: {  	_ =	task.clear_ibuf [dreg:s6], $0x4FFFF;
	_ =	strace $0x90000046  }
0xb1: {  	s29 =	simm.s32 $0x9;
	_ =	strace $0x80000048  }
0xb2: {  	_ =	swait.ge [sflag:s29], $0x1  }
0xb3: {  	[sflag:s29] =	ssyncadd.s32 $0xFFFFFFFF  }
0xb4: {  	_ =	strace $0x90000048  }
0xb5: {  	_ =	sfence  }
0xb6: {  	s30 =	sld [smem:$0x0];
	_ =	sdelay $0x2  }
0xb7: {  	s31 =	sshll.u32 s1, $0xD;
	s1 =	sshrl.u32 s1, $0x2  }
0xb8: {  	s3 =	sand.u32 $0x4000, s31;
	s1 =	sadd.s32 s1, s30  }
0xb9: {  	s0 =	sor.u32 s3, s0;
	s1 =	sshll.u32 s1, $0x11  }
0xba: {  	s0 =	sor.u32 s1, s0  }
0xbb: {  	s0 =	sadd.s32 $0x8F2B, s0  }
0xbc: {  	[sflag:s0] =	ssyncadd.remote.s32 $0x1  }
0xbd: {  	_ =	sfence.sel $0xFFFF  }
0xbe: {  	[dreg:$0x0] =	wrdreg $0xFFFFFFFF;
	(pc) =	sbr.abs _section_cstart, $3  }
0xbf: {  	[dreg:$0x1] =	wrdreg $0xFFFFFFFF  }
0xc0: {  	_ =	task.clear_ibuf [dreg:s6], $0x2FFFF;
	_ =	strace $0x9FFFFFFF  }
0xc1: {  	(tm) =	ssettm $0x7FFFFFFF  }
tec
execute0_lowered:
.L_overlay_start_1:
0x0: {  	(tag) =	ssettag $0x1  }
0x1: {  	s4 =	rddreg [dreg:$0x0]  }
0x2: {  	s3 =	srdreg.scid;
	s0 =	stileid.u32;
	s2 =	simm.s32 $0x0  }
0x3: {  	s13 =	simm.s32 $0x1;
	s14 =	simm.s32 $0x2;
	s7 =	smul.u32 $0x186A00, s0  }
0x4: {  	s15 =	simm.s32 $0x0;
	s5 =	sand.u32 $0x1, s3;
	s11 =	smul.u32 $0x30D40, s0  }
0x5: {  	s23 =	sshll.u32 s0, $0x1;
	[smem:$0x7FF] =	sst s2;
	s9 =	smul.u32 $0xC3500, s5  }
0x6: {  	s10 =	sadd.s32 $0x1EB600, s4;
	s3 =	sor.u32 s5, s23;
	s12 =	smul.u32 $0x186A0, s5  }
0x7: {  	_ =	strace $0x80000047;
	s8 =	ssub.s32 $0x2, s5;
	s6 =	smul.u32 $0x186A, s3  }
0x8: {  	s3 =	sadd.s32 $0x1BA800, s4;
	s24 =	sshrl.u32 s8, $0x1;
	s26 =	sadd.s32 s11, s10  }
0x9: {  	s8 =	ssub.s32 s8, s24;
	s9 =	sadd.s32 s9, s7;
	s6 =	sadd.s32 s6, s4  }
0xa: {  	s7 =	sadd.s32 $0x1400, s9;
	s5 =	smax.u32 s8, $0x1;
	s28 =	sadd.s32 $0xF00, s9  }
0xb: {  	s29 =	sadd.s32 $0xA00, s9;
	s30 =	sadd.s32 $0x500, s9;
	s25 =	sadd.s32 $0x189A00, s6  }
0xc: {  	s6 =	sadd.s32 s12, s26;
	s7 =	sshrl.u32 s7, $0x3;
	s8 =	sshrl.u32 s28, $0x3  }
0xd: {  	s11 =	sshrl.u32 s29, $0x3;
	s31 =	sshrl.u32 s30, $0x3;
	s12 =	simm.s32 $0x50  }
0xe: {  	[dreg:$0x2] =	wrdreg s25;
	s7 =	sadd.s32 s7, s10;
	s8 =	sadd.s32 s8, s10  }
0xf: {  	s9 =	sadd.s32 s11, s10;
	s10 =	sadd.s32 s31, s10;
	s11 =	simm.s32 $0x3  }
.LBB2_1:
0x10: {  	s0 =	rddreg [dreg:$0x2]  }
0x11: {  	[tilespmem:s2], [sflag:$0x3] =	stream.linear.gather [hbm4b:s0+s2], $0xC350, $0x38;
	[tilespmem:$0xF550] =	vst v63  }
0x12: {  	p0 =	por $0x1, $0x1;
	_ =	swait.ge [sflag:s11], $0xC350  }
0x13: {  	p0 =	por p0, p0;
	[sflag:s11] =	ssyncset.done $0x0  }
0x14: {  	s16 =	simm.s32 @!p0 $0x2;
	[sflag:s11] =	ssyncadd.s32 $0xFFFF3CB0  }
0x15: {  	_ =	swait.ge @!p0 [sflag:s16], $0x500  }
0x16: {  	[sflag:s16] =	ssyncset.done @!p0 $0x0  }
0x17: {  	[sflag:s16] =	ssyncadd.s32 @!p0 $0xFFFFFB00  }
0x18: {  	_ =	swait.ge @!p0 [sflag:s16], $0x500  }
0x19: {  	[sflag:s16] =	ssyncset.done @!p0 $0x0  }
0x1a: {  	[sflag:s16] =	ssyncadd.s32 @!p0 $0xFFFFFB00  }
0x1b: {  	_ =	swait.ge @!p0 [sflag:s16], $0x500  }
0x1c: {  	[sflag:s16] =	ssyncset.done @!p0 $0x0  }
0x1d: {  	[sflag:s16] =	ssyncadd.s32 @!p0 $0xFFFFFB00  }
0x1e: {  	_ =	swait.ge @!p0 [sflag:s16], $0x500  }
0x1f: {  	[sflag:s16] =	ssyncset.done @!p0 $0x0  }
0x20: {  	s17 =	sand.u32 $0x1, s2;
	[sflag:s16] =	ssyncadd.s32 @!p0 $0xFFFFFB00  }
0x21: {  	p1 =	seq.s32 s17, $0x1;
	s17 =	simm.s32 $0x1900;
	_ =	swait.ge @!p0 [sflag:s16], $0x500  }
0x22: {  	s17 =	simm.s32 @!p1 $0x0;
	[sflag:s16] =	ssyncset.done @!p0 $0x0  }
0x23: {  	s18 =	simm.s32 $0x0;
	s25 =	sadd.s32 $0xC350, s17;
	[sflag:s16] =	ssyncadd.s32 @!p0 $0xFFFFFB00  }
0x24: {  	[tilespmem:s25], [sflag:$0x1] =	stream.indirect.gather [hbm4b:s3+s12], $0x10, s18, s12, $0xb8;
	[tilespmem:$0xF550] =	vst v63  }
0x25: {  	s19 =	simm.s32 $0x50;
	s26 =	sadd.s32 $0xC850, s17  }
0x26: {  	[tilespmem:s26], [sflag:$0x1] =	stream.indirect.gather [hbm4b:s3+s12], $0x10, s19, s12, $0xb8;
	[tilespmem:$0xF550] =	vst v63  }
0x27: {  	s20 =	simm.s32 $0xA0;
	s29 =	sadd.s32 $0xCD50, s17  }
0x28: {  	[tilespmem:s29], [sflag:$0x1] =	stream.indirect.gather [hbm4b:s3+s12], $0x10, s20, s12, $0xb8;
	[tilespmem:$0xF550] =	vst v63  }
0x29: {  	s21 =	simm.s32 $0xF0;
	s30 =	sadd.s32 $0xD250, s17  }
0x2a: {  	[tilespmem:s30], [sflag:$0x1] =	stream.indirect.gather [hbm4b:s3+s12], $0x10, s21, s12, $0xb8;
	[tilespmem:$0xF550] =	vst v63  }
0x2b: {  	s31 =	simm.s32 $0x140;
	s28 =	sadd.s32 $0xD750, s17  }
0x2c: {  	[tilespmem:s28], [sflag:$0x1] =	stream.indirect.gather [hbm4b:s3+s12], $0x10, s31, s12, $0xb8;
	[tilespmem:$0xF550] =	vst v63  }
0x2d: {  	_ =	swait.ge [sflag:s13], $0x500  }
0x2e: {  	[sflag:s13] =	ssyncset.done $0x0  }
0x2f: {  	[sflag:s13] =	ssyncadd.s32 $0xFFFFFB00  }
0x30: {  	_ =	swait.ge [sflag:s13], $0x500  }
0x31: {  	[sflag:s13] =	ssyncset.done $0x0  }
0x32: {  	[sflag:s13] =	ssyncadd.s32 $0xFFFFFB00  }
0x33: {  	_ =	swait.ge [sflag:s13], $0x500  }
0x34: {  	[sflag:s13] =	ssyncset.done $0x0  }
0x35: {  	[sflag:s13] =	ssyncadd.s32 $0xFFFFFB00  }
0x36: {  	_ =	swait.ge [sflag:s13], $0x500  }
0x37: {  	[sflag:s13] =	ssyncset.done $0x0  }
0x38: {  	[sflag:s13] =	ssyncadd.s32 $0xFFFFFB00  }
0x39: {  	_ =	swait.ge [sflag:s13], $0x500  }
0x3a: {  	p6 =	por $0x1, $0x1;
	[sflag:s13] =	ssyncset.done $0x0  }
0x3b: {  	s22 =	simm.s32 $0x1;
	s23 =	simm.s32 $0xC80;
	[sflag:s13] =	ssyncadd.s32 $0xFFFFFB00  }
0x3c: {  	[hbm4b:s6+s2] =	stream.linear.scatter [tilespmem:s25], [sflag:$0x2], $0x500, $0x38;
	[tilespmem:$0xF550] =	vst v63  }
0x3d: {  	s24 =	simm.s32 $0x2;
	s17 =	sadd.s32 $0x320, s9;
	p0 =	por p6, p6  }
0x3e: {  	[hbm4b:s10+s2] =	stream.linear.scatter [tilespmem:s26], [sflag:$0x2], $0x500, $0x38;
	[tilespmem:$0xF550] =	vst v63  }
0x3f: {  	s16 =	sadd.s32 $0x320, s8;
	s18 =	sadd.s32 $0x320, s7;
	s19 =	sadd.s32 $0x320, s10  }
0x40: {  	[hbm4b:s9+s2] =	stream.linear.scatter [tilespmem:s29], [sflag:$0x2], $0x500, $0x38;
	[tilespmem:$0xF550] =	vst v63  }
0x41: {  	s20 =	sadd.s32 $0x320, s6;
	s21 =	simm.s32 $0x640;
	s25 =	smov.u32 s7  }
0x42: {  	[hbm4b:s8+s2] =	stream.linear.scatter [tilespmem:s30], [sflag:$0x2], $0x500, $0x38;
	[tilespmem:$0xF550] =	vst v63  }
.LBB2_2:
0x43: {  	[hbm4b:s25+s2] =	stream.linear.scatter [tilespmem:s28], [sflag:$0x2], $0x500, $0x38;
	[tilespmem:$0xF550] =	vst v63  }
0x44: {  	s28 =	smov.u32 s23;
	s26 =	smov.u32 s16;
	s25 =	smov.u32 s18  }
0x45: {  	p2 =	slt.u32 s24, $0x2;
	s23 =	sadd.s32 $0x640, s23;
	s29 =	simm.s32 @!p0 $0x2  }
0x46: {  	p1 =	sne.s32 s23, $0x30D40;
	_ =	swait.ge @!p0 [sflag:s29], $0x500  }
0x47: {  	[sflag:s29] =	ssyncset.done @!p0 $0x0  }
0x48: {  	[sflag:s29] =	ssyncadd.s32 @!p0 $0xFFFFFB00  }
0x49: {  	_ =	swait.ge @!p0 [sflag:s29], $0x500  }
0x4a: {  	[sflag:s29] =	ssyncset.done @!p0 $0x0  }
0x4b: {  	[sflag:s29] =	ssyncadd.s32 @!p0 $0xFFFFFB00  }
0x4c: {  	_ =	swait.ge @!p0 [sflag:s29], $0x500  }
0x4d: {  	[sflag:s29] =	ssyncset.done @!p0 $0x0  }
0x4e: {  	[sflag:s29] =	ssyncadd.s32 @!p0 $0xFFFFFB00  }
0x4f: {  	_ =	swait.ge @!p0 [sflag:s29], $0x500  }
0x50: {  	[sflag:s29] =	ssyncset.done @!p0 $0x0  }
0x51: {  	s30 =	sand.u32 $0x1, s22;
	s22 =	smov.u32 s24;
	[sflag:s29] =	ssyncadd.s32 @!p0 $0xFFFFFB00  }
0x52: {  	p3 =	seq.s32 s30, $0x1;
	s30 =	simm.s32 $0x1900;
	_ =	swait.ge @!p0 [sflag:s29], $0x500  }
0x53: {  	s30 =	simm.s32 @!p3 $0x0;
	[sflag:s29] =	ssyncset.done @!p0 $0x0  }
0x54: {  	s31 =	sshra.s32 s21, $0x2;
	[sflag:s29] =	ssyncadd.s32 @!p0 $0xFFFFFB00;
	s29 =	sadd.s32 $0xC350, s30  }
0x55: {  	[tilespmem:s29], [sflag:$0x1] =	stream.indirect.gather [hbm4b:s3+s12], $0x10, s31, s12, $0xb8;
	[tilespmem:$0xF550] =	vst v63  }
0x56: {  	s1 =	sadd.s32 $0x50, s31;
	s21 =	smov.u32 s28;
	s0 =	sadd.s32 $0xC850, s30  }
0x57: {  	[tilespmem:s0], [sflag:$0x1] =	stream.indirect.gather [hbm4b:s3+s12], $0x10, s1, s12, $0xb8;
	[tilespmem:$0xF550] =	vst v63  }
0x58: {  	s28 =	sadd.s32 $0xA0, s31;
	p0 =	por p2, p2;
	s1 =	sadd.s32 $0xCD50, s30  }
0x59: {  	[tilespmem:s1], [sflag:$0x1] =	stream.indirect.gather [hbm4b:s3+s12], $0x10, s28, s12, $0xb8;
	[tilespmem:$0xF550] =	vst v63  }
0x5a: {  	s4 =	sadd.s32 $0xD250, s30;
	s28 =	sadd.s32 $0xF0, s31  }
0x5b: {  	[tilespmem:s4], [sflag:$0x1] =	stream.indirect.gather [hbm4b:s3+s12], $0x10, s28, s12, $0xb8;
	[tilespmem:$0xF550] =	vst v63  }
0x5c: {  	s28 =	sadd.s32 $0xD750, s30;
	s30 =	sadd.s32 $0x140, s31  }
0x5d: {  	[tilespmem:s28], [sflag:$0x1] =	stream.indirect.gather [hbm4b:s3+s12], $0x10, s30, s12, $0xb8;
	[tilespmem:$0xF550] =	vst v63  }
0x5e: {  	_ =	swait.ge [sflag:s13], $0x500  }
0x5f: {  	[sflag:s13] =	ssyncset.done $0x0  }
0x60: {  	[sflag:s13] =	ssyncadd.s32 $0xFFFFFB00  }
0x61: {  	_ =	swait.ge [sflag:s13], $0x500  }
0x62: {  	[sflag:s13] =	ssyncset.done $0x0  }
0x63: {  	[sflag:s13] =	ssyncadd.s32 $0xFFFFFB00  }
0x64: {  	_ =	swait.ge [sflag:s13], $0x500  }
0x65: {  	[sflag:s13] =	ssyncset.done $0x0  }
0x66: {  	[sflag:s13] =	ssyncadd.s32 $0xFFFFFB00  }
0x67: {  	_ =	swait.ge [sflag:s13], $0x500  }
0x68: {  	[sflag:s13] =	ssyncset.done $0x0  }
0x69: {  	[sflag:s13] =	ssyncadd.s32 $0xFFFFFB00  }
0x6a: {  	_ =	swait.ge [sflag:s13], $0x500  }
0x6b: {  	[sflag:s13] =	ssyncset.done $0x0  }
0x6c: {  	[sflag:s13] =	ssyncadd.s32 $0xFFFFFB00  }
0x6d: {  	[hbm4b:s20+s2] =	stream.linear.scatter [tilespmem:s29], [sflag:$0x2], $0x500, $0x38;
	[tilespmem:$0xF550] =	vst v63  }
0x6e: {  	_ = 	snop  }
0x6f: {  	[hbm4b:s19+s2] =	stream.linear.scatter [tilespmem:s0], [sflag:$0x2], $0x500, $0x38;
	[tilespmem:$0xF550] =	vst v63  }
.Ltmp0:
0x70: {  	(pc) =	sbr.rel @p1 .LBB2_2-.Ltmp0, $4  }
0x71: {  	[hbm4b:s17+s2] =	stream.linear.scatter [tilespmem:s1], [sflag:$0x2], $0x500, $0x38;
	[tilespmem:$0xF550] =	vst v63  }
0x72: {  	s16 =	sadd.s32 $0x320, s16;
	s19 =	sadd.s32 $0x320, s19;
	s17 =	sadd.s32 $0x320, s17  }
0x73: {  	[hbm4b:s26+s2] =	stream.linear.scatter [tilespmem:s4], [sflag:$0x2], $0x500, $0x38;
	[tilespmem:$0xF550] =	vst v63  }
0x74: {  	s24 =	sadd.s32 $0x1, s24;
	s18 =	sadd.s32 $0x320, s18;
	s20 =	sadd.s32 $0x320, s20  }
0x75: {  	[hbm4b:s25+s2] =	stream.linear.scatter [tilespmem:s28], [sflag:$0x2], $0x500, $0x38;
	[tilespmem:$0xF550] =	vst v63  }
0x76: {  	s0 =	simm.s32 @!p0 $0x2  }
0x77: {  	_ =	swait.ge @!p0 [sflag:s0], $0x500  }
0x78: {  	[sflag:s0] =	ssyncset.done @!p0 $0x0  }
0x79: {  	[sflag:s0] =	ssyncadd.s32 @!p0 $0xFFFFFB00  }
0x7a: {  	_ =	swait.ge @!p0 [sflag:s0], $0x500  }
0x7b: {  	[sflag:s0] =	ssyncset.done @!p0 $0x0  }
0x7c: {  	[sflag:s0] =	ssyncadd.s32 @!p0 $0xFFFFFB00  }
0x7d: {  	_ =	swait.ge @!p0 [sflag:s0], $0x500  }
0x7e: {  	[sflag:s0] =	ssyncset.done @!p0 $0x0  }
0x7f: {  	[sflag:s0] =	ssyncadd.s32 @!p0 $0xFFFFFB00  }
0x80: {  	_ =	swait.ge @!p0 [sflag:s0], $0x500  }
0x81: {  	[sflag:s0] =	ssyncset.done @!p0 $0x0  }
0x82: {  	s1 =	sand.u32 $0x1, s22;
	[sflag:s0] =	ssyncadd.s32 @!p0 $0xFFFFFB00  }
0x83: {  	p1 =	seq.s32 s1, $0x1;
	s1 =	simm.s32 $0x1900;
	_ =	swait.ge @!p0 [sflag:s0], $0x500  }
0x84: {  	s1 =	simm.s32 @!p1 $0x0;
	[sflag:s0] =	ssyncset.done @!p0 $0x0  }
0x85: {  	s4 =	sshra.s32 s21, $0x2;
	s26 =	sadd.s32 $0xC350, s1;
	[sflag:s0] =	ssyncadd.s32 @!p0 $0xFFFFFB00  }
0x86: {  	[tilespmem:s26], [sflag:$0x1] =	stream.indirect.gather [hbm4b:s3+s12], $0x10, s4, s12, $0xb8;
	[tilespmem:$0xF550] =	vst v63  }
0x87: {  	s29 =	sadd.s32 $0x50, s4;
	s28 =	sadd.s32 $0xC850, s1  }
0x88: {  	[tilespmem:s28], [sflag:$0x1] =	stream.indirect.gather [hbm4b:s3+s12], $0x10, s29, s12, $0xb8;
	[tilespmem:$0xF550] =	vst v63  }
0x89: {  	s23 =	sadd.s32 $0xA0, s4;
	s30 =	sadd.s32 $0xCD50, s1  }
0x8a: {  	[tilespmem:s30], [sflag:$0x1] =	stream.indirect.gather [hbm4b:s3+s12], $0x10, s23, s12, $0xb8;
	[tilespmem:$0xF550] =	vst v63  }
0x8b: {  	s24 =	sadd.s32 $0xF0, s4;
	s31 =	sadd.s32 $0xD250, s1  }
0x8c: {  	[tilespmem:s31], [sflag:$0x1] =	stream.indirect.gather [hbm4b:s3+s12], $0x10, s24, s12, $0xb8;
	[tilespmem:$0xF550] =	vst v63  }
0x8d: {  	s1 =	sadd.s32 $0xD750, s1;
	s4 =	sadd.s32 $0x140, s4  }
0x8e: {  	[tilespmem:s1], [sflag:$0x1] =	stream.indirect.gather [hbm4b:s3+s12], $0x10, s4, s12, $0xb8;
	[tilespmem:$0xF550] =	vst v63  }
0x8f: {  	_ =	swait.ge [sflag:s13], $0x500  }
0x90: {  	[sflag:s13] =	ssyncset.done $0x0  }
0x91: {  	[sflag:s13] =	ssyncadd.s32 $0xFFFFFB00  }
0x92: {  	_ =	swait.ge [sflag:s13], $0x500  }
0x93: {  	[sflag:s13] =	ssyncset.done $0x0  }
0x94: {  	[sflag:s13] =	ssyncadd.s32 $0xFFFFFB00  }
0x95: {  	_ =	swait.ge [sflag:s13], $0x500  }
0x96: {  	[sflag:s13] =	ssyncset.done $0x0  }
0x97: {  	[sflag:s13] =	ssyncadd.s32 $0xFFFFFB00  }
0x98: {  	_ =	swait.ge [sflag:s13], $0x500  }
0x99: {  	[sflag:s13] =	ssyncset.done $0x0  }
0x9a: {  	[sflag:s13] =	ssyncadd.s32 $0xFFFFFB00  }
0x9b: {  	_ =	swait.ge [sflag:s13], $0x500  }
0x9c: {  	[sflag:s13] =	ssyncset.done $0x0  }
0x9d: {  	[sflag:s13] =	ssyncadd.s32 $0xFFFFFB00  }
0x9e: {  	[hbm4b:s20+s2] =	stream.linear.scatter [tilespmem:s26], [sflag:$0x2], $0x500, $0x38;
	[tilespmem:$0xF550] =	vst v63  }
0x9f: {  	_ = 	snop  }
0xa0: {  	[hbm4b:s19+s2] =	stream.linear.scatter [tilespmem:s28], [sflag:$0x2], $0x500, $0x38;
	[tilespmem:$0xF550] =	vst v63  }
0xa1: {  	_ = 	snop  }
0xa2: {  	[hbm4b:s17+s2] =	stream.linear.scatter [tilespmem:s30], [sflag:$0x2], $0x500, $0x38;
	[tilespmem:$0xF550] =	vst v63  }
0xa3: {  	_ = 	snop  }
0xa4: {  	[hbm4b:s16+s2] =	stream.linear.scatter [tilespmem:s31], [sflag:$0x2], $0x500, $0x38;
	[tilespmem:$0xF550] =	vst v63  }
0xa5: {  	_ = 	snop  }
0xa6: {  	[hbm4b:s18+s2] =	stream.linear.scatter [tilespmem:s1], [sflag:$0x2], $0x500, $0x38;
	[tilespmem:$0xF550] =	vst v63  }
0xa7: {  	_ =	swait.ge [sflag:s14], $0x500  }
0xa8: {  	[sflag:s14] =	ssyncset.done $0x0  }
0xa9: {  	[sflag:s14] =	ssyncadd.s32 $0xFFFFFB00  }
0xaa: {  	_ =	swait.ge [sflag:s14], $0x500  }
0xab: {  	[sflag:s14] =	ssyncset.done $0x0  }
0xac: {  	[sflag:s14] =	ssyncadd.s32 $0xFFFFFB00  }
0xad: {  	_ =	swait.ge [sflag:s14], $0x500  }
0xae: {  	[sflag:s14] =	ssyncset.done $0x0  }
0xaf: {  	[sflag:s14] =	ssyncadd.s32 $0xFFFFFB00  }
0xb0: {  	_ =	swait.ge [sflag:s14], $0x500  }
0xb1: {  	[sflag:s14] =	ssyncset.done $0x0  }
0xb2: {  	[sflag:s14] =	ssyncadd.s32 $0xFFFFFB00  }
0xb3: {  	_ =	swait.ge [sflag:s14], $0x500  }
0xb4: {  	[sflag:s14] =	ssyncset.done $0x0  }
0xb5: {  	[sflag:s14] =	ssyncadd.s32 $0xFFFFFB00  }
0xb6: {  	_ =	swait.ge [sflag:s14], $0x500  }
0xb7: {  	[sflag:s14] =	ssyncset.done $0x0  }
0xb8: {  	[sflag:s14] =	ssyncadd.s32 $0xFFFFFB00  }
0xb9: {  	_ =	swait.ge [sflag:s14], $0x500  }
0xba: {  	[sflag:s14] =	ssyncset.done $0x0  }
0xbb: {  	[sflag:s14] =	ssyncadd.s32 $0xFFFFFB00  }
0xbc: {  	_ =	swait.ge [sflag:s14], $0x500  }
0xbd: {  	[sflag:s14] =	ssyncset.done $0x0  }
0xbe: {  	s15 =	sadd.s32 $0x1, s15;
	[sflag:s14] =	ssyncadd.s32 $0xFFFFFB00  }
0xbf: {  	p0 =	sne.s32 s15, s5;
	_ =	swait.ge [sflag:s14], $0x500  }
.Ltmp1:
0xc0: {  	[sflag:s14] =	ssyncset.done $0x0;
	(pc) =	sbr.rel @p0 .LBB2_1-.Ltmp1, $4  }
0xc1: {  	[sflag:s14] =	ssyncadd.s32 $0xFFFFFB00  }
0xc2: {  	_ =	swait.ge [sflag:s14], $0x500  }
0xc3: {  	[sflag:s14] =	ssyncset.done $0x0  }
0xc4: {  	[sflag:s14] =	ssyncadd.s32 $0xFFFFFB00  }
0xc5: {  	_ =	sfence.sel $0x180000  }
0xc6: {  	[bflag:$0x0] =	sbarrier.arrive $0xFFFF  }
0xc7: {  	_ =	strace $0x90000047  }
0xc8: {  	s0 =	stileid.u32;
	[bflag:$0x2] =	sbarrier.arrive $0xFFFF  }
0xc9: {  	p0 =	sne.s32 s0, $0x0;
	s0 =	rddreg [dreg:$0x1]  }
0xca: {  	s0 =	sadd.s32 @!p0 $0x100000, s0  }
0xcb: {  	[sflag:s0] =	ssyncadd.tile.s32 @!p0 $0x1;
	_ =	shalt  }
.Lfunc_end2:
_tile_overlayer_lowered:
.L_overlay_start_2:
0xcc: {  	(tag) =	ssettag $0x2  }
0xcd: {  	s0 =	rddreg [dreg:$0x0];
	s2 =	stileid.u32  }
0xce: {  	s1 =	rddreg [dreg:$0x1];
	p0 =	sne.s32 s2, $0x0  }
0xcf: {  	s3 =	rddreg [dreg:$0x2];
	[bflag:$0x3] =	sbarrier.arrive $0xFFFF;
	s2 =	simm.s32 @!p0 $0x1C03  }
0xd0: {  	[timem:s3], [sflag:s2] =	dma.local @!p0 [hbm:s0], s1  }
0xd1: {  	s0 =	simm.s32 @!p0 $0x3  }
0xd2: {  	_ =	swait.ge @!p0 [sflag:s0], s1  }
0xd3: {  	s1 =	ssub.s32 @!p0 $0x0, s1;
	[sflag:s0] =	ssyncset.done @!p0 $0x0  }
0xd4: {  	[sflag:s0] =	ssyncadd.s32 @!p0 s1  }
0xd5: {  	[bflag:$0x3] =	sbarrier.arrive $0xFFFF  }
0xd6: {  	_ =	shalt  }

</sc_bundles>
